<compile_context>
chip_gen: v7x
topology: tpu7x:2x2x1
jax: 0.10.2.dev20260603
libtpu: 0.0.44.dev20260713+nightly
codegen_flags: <defaults>
</compile_context>

<pallas_src>
import functools

import jax
import jax.numpy as jnp
from jax import lax
from jax.experimental import pallas as pl
from jax.experimental.pallas import tpu as pltpu
from jax.experimental.pallas import tpu_sc as plsc

C = 16
D = 32
V = 1000000
N = 16384
I = 4096

_CH = 128
_P = 4


def _gather_rows(table128, idx3, n_workers, rows_per_w):
    nch = rows_per_w // _CH
    mesh = plsc.VectorSubcoreMesh(core_axis_name="c", subcore_axis_name="s")

    @functools.partial(
        pl.kernel,
        mesh=mesh,
        out_type=jax.ShapeDtypeStruct((N, _P * D), jnp.float32),
        scratch_types=[
            pltpu.VMEM((nch, _CH), jnp.int32),
            pltpu.VMEM((rows_per_w, _P * D), jnp.float32),
            pltpu.SemaphoreType.DMA,
        ],
    )
    def k(table_hbm, idx_hbm, out_hbm, idx_v, rows_v, sem):
        wid = lax.axis_index("s") * 2 + lax.axis_index("c")
        pltpu.sync_copy(idx_hbm.at[wid], idx_v)
        descs = [
            pltpu.async_copy(
                table_hbm.at[idx_v.at[j]],
                rows_v.at[pl.ds(j * _CH, _CH)],
                sem,
            )
            for j in range(nch)
        ]
        for d_ in descs:
            d_.wait()
        pltpu.sync_copy(rows_v, out_hbm.at[pl.ds(wid * rows_per_w, rows_per_w)])

    return k(table128, idx3)


def _dense_ll(mu, r128, off2, anno2, conf2):

    NB = 2048

    def body(mu_ref, r_ref, off_ref, anno_ref, conf_ref, out_ref):
        E = jnp.exp(mu_ref[...])
        expE = jnp.exp(E)
        rw = r_ref[...]
        off = off_ref[...]
        R = jnp.zeros((NB, D), jnp.float32)
        for k in range(_P):
            m = (off == k).astype(jnp.float32)
            R = R + m * rw[:, k * D:(k + 1) * D]
        S = lax.dot_general(jnp.exp(R), expE,
                            (((1,), (1,)), ((), ())),
                            preferred_element_type=jnp.float32)
        onehot = (anno_ref[...] ==
                  lax.broadcasted_iota(jnp.int32, (NB, D), 1)
                  ).astype(jnp.float32)
        a = jnp.sum(R * onehot, axis=1, keepdims=True)
        G = lax.dot_general(onehot, E,
                            (((1,), (1,)), ((), ())),
                            preferred_element_type=jnp.float32)
        out_ref[...] = conf_ref[...] * (G + a - jnp.log(S))

    return pl.pallas_call(
        body,
        grid=(N // NB,),
        in_specs=[
            pl.BlockSpec((C, D), lambda i: (0, 0)),
            pl.BlockSpec((NB, _P * D), lambda i: (i, 0)),
            pl.BlockSpec((NB, 1), lambda i: (i, 0)),
            pl.BlockSpec((NB, 1), lambda i: (i, 0)),
            pl.BlockSpec((NB, 1), lambda i: (i, 0)),
        ],
        out_specs=pl.BlockSpec((NB, C), lambda i: (i, 0)),
        out_shape=jax.ShapeDtypeStruct((N, C), jnp.float32),
    )(mu, r128, off2, anno2, conf2)


def _segment_sum(ll, items3, n_workers, rows_per_w):
    nch = rows_per_w // _CH
    out_rows_per_w = I // n_workers
    mesh = plsc.VectorSubcoreMesh(core_axis_name="c", subcore_axis_name="s",
                                  num_cores=1)

    @functools.partial(
        pl.kernel,
        mesh=mesh,
        compiler_params=pltpu.CompilerParams(use_tc_tiling_on_sc=False),
        out_type=jax.ShapeDtypeStruct((I, C), jnp.float32),
        scratch_types=[
            pltpu.VMEM((nch, _CH), jnp.int32),
            pltpu.VMEM((rows_per_w, C), jnp.float32),
            pltpu.VMEM((out_rows_per_w, C), jnp.float32),
            pltpu.VMEM_SHARED((I, C), jnp.float32),
            pltpu.SemaphoreType.DMA,
        ],
    )
    def k(ll_hbm, items_hbm, out_hbm, idx_v, vals_v, z_v, acc_sh, sem):
        wid = lax.axis_index("s")

        def zero_row(i, carry):
            z_v[i, :] = jnp.zeros((C,), jnp.float32)
            return carry

        lax.fori_loop(0, out_rows_per_w, zero_row, 0)
        pltpu.sync_copy(z_v, acc_sh.at[pl.ds(wid * out_rows_per_w,
                                             out_rows_per_w)])
        pltpu.sync_copy(items_hbm.at[wid], idx_v)
        pltpu.sync_copy(ll_hbm.at[pl.ds(wid * rows_per_w, rows_per_w)], vals_v)
        plsc.subcore_barrier()
        for j in range(nch):
            pltpu.sync_copy(vals_v.at[pl.ds(j * _CH, _CH)],
                            acc_sh.at[idx_v.at[j]], add=True)
        plsc.subcore_barrier()
        pltpu.sync_copy(acc_sh.at[pl.ds(wid * out_rows_per_w, out_rows_per_w)],
                        out_hbm.at[pl.ds(wid * out_rows_per_w,
                                         out_rows_per_w)])

    return k(ll, items3)


def kernel(mu, random_effects, anno, items, annotators, confidences):
    gw = 32
    ai = annotators.astype(jnp.int32)
    q3 = (ai // _P).reshape(gw, (N // gw) // _CH, _CH)
    off2 = (ai % _P).reshape(N, 1)
    table128 = random_effects.reshape(V // _P, _P * D)
    r128 = _gather_rows(table128, q3, gw, N // gw)

    anno2 = anno.astype(jnp.int32).reshape(N, 1)
    conf2 = confidences.reshape(N, 1)
    ll = _dense_ll(mu, r128, off2, anno2, conf2)

    sw = 16
    items3 = items.astype(jnp.int32).reshape(sw, (N // sw) // _CH, _CH)
    out = _segment_sum(ll, items3, sw, N // sw)
    return out.T

# --- scband reference (transcript-rebuilt; emitter-appended) ---
"""Pipeline reference for scband-likelihood-15573551415661 (READ-ONLY COPY).

The authoritative reference and input builder live on the scoring server;
editing this copy changes nothing except your own understanding.
"""

import jax, jax.numpy as jnp
import numpy as np

C = 16          # n_components
D = 32          # property dimension (categorical categories)
V = 1000000     # number of annotators (random-effects table rows)
N = 16384       # number of annotations
I = 4096        # number of items


def setup_inputs(seed: int = 0) -> dict:
    key = jax.random.key(seed)
    k1, k2, k3, k4, k5, k6 = jax.random.split(key, 6)
    # learned parameters
    mu = jax.random.normal(k1, (C, D), dtype=jnp.float32) * 0.1          # per-component property means
    random_effects = jax.random.normal(k2, (V, D), dtype=jnp.float32) * 0.1  # annotator random-effects table
    # forward inputs (single flattened property)
    anno = jax.random.randint(k3, (N,), 0, D)                            # categorical annotation values
    items = jnp.sort(jax.random.randint(k4, (N,), 0, I))                 # item id per annotation
    annotators = jax.random.randint(k5, (N,), 0, V)                      # annotator id per annotation
    confidences = jax.random.uniform(k6, (N,), dtype=jnp.float32)        # ridit-scored confidences
    return {
        "mu": mu,
        "random_effects": random_effects,
        "anno": anno,
        "items": items,
        "annotators": annotators,
        "confidences": confidences,
    }


def reference(mu, random_effects, anno, items, annotators, confidences):
    # _get_random_effects: gather annotator random effects (embedding lookup)
    random = jnp.take(random_effects, annotators, axis=0)                # [N, D]
    # _get_distribution (non-ordinal, categorical branch): mean = exp(mu) + random
    mean = jnp.exp(mu)[:, None, :] + random[None, :, :]                  # [C, N, D]
    # Categorical(softmax(mean)).log_prob(anno)
    logp = jax.nn.log_softmax(mean, axis=-1)                             # [C, N, D]
    idx = jnp.broadcast_to(anno[None, :, None], (C, N, 1))
    ll = jnp.take_along_axis(logp, idx, axis=-1).squeeze(-1)             # [C, N]
    # confidence-weighted likelihood
    ll = ll * confidences[None, :]
    # accumulate per-item total log-likelihood: total_ll[C, num_items]
    total_ll = jax.ops.segment_sum(ll.T, items, num_segments=I).T        # [C, I]
    return total_ll

if __name__ == "__main__":
    import jax
    _d = setup_inputs()
    print(jax.jit(kernel)(*tuple(_d.values())))

</pallas_src>

<mosaic_0001>
#map = affine_map<(d0, d1) -> (0, 0)>
#map1 = affine_map<(d0, d1) -> (0, 0, 0)>
module attributes {stable_mosaic.version = 14 : i64} {
  func.func @k(%arg0: i32, %arg1: i32, %arg2: memref<250000x128xf32, #tpu.memory_space<hbm>>, %arg3: memref<32x4x128xi32, #tpu.memory_space<hbm>>, %arg4: memref<16384x128xf32, #tpu.memory_space<hbm>>, %arg5: memref<4x128xi32, #tpu.memory_space<vmem>>, %arg6: memref<512x128xf32, #tpu.memory_space<vmem>>, %arg7: memref<!tpu.dma_semaphore, #tpu.memory_space<semaphore_mem>>) attributes {dimension_semantics = [#tpu.dimension_semantics<core_parallel>, #tpu.dimension_semantics<subcore_parallel>], iteration_bounds = array<i64: 2, 16>, scalar_prefetch = 0 : i64, scratch_operands = 3 : i64, tpu.core_type = #tpu.core_type<sc_vector_subcore>, window_params = [{transform_indices = #map}, {transform_indices = #map1}, {transform_indices = #map}]} {
    %mul3A = arith.constant 2 : i32
    %mul3A_0 = arith.muli %arg1, %mul3A : i32
    %add3A = arith.addi %mul3A_0, %arg0 : i32
    "tpu.region"() ({
      %run_scoped3A = tpu.sem_alloc : memref<!tpu.dma_semaphore, #tpu.memory_space<semaphore_mem>>
      %dma_start3A_81 = arith.constant 0 : i32
      %dma_start3A_82 = arith.constant 0 : i32
      %dma_start3A_83 = tpu.memref_slice %arg3[%add3A, %dma_start3A_81, %dma_start3A_82] : memref<32x4x128xi32, #tpu.memory_space<hbm>> -> memref<1x4x128xi32, #tpu.memory_space<hbm>>
      %dma_start3A_84 = tpu.memref_squeeze %dma_start3A_83 : memref<1x4x128xi32, #tpu.memory_space<hbm>> -> memref<4x128xi32, #tpu.memory_space<hbm>>
      %dma_start3A_85 = arith.constant 0 : i32
      %dma_start3A_86 = arith.constant 0 : i32
      %dma_start3A_87 = tpu.memref_slice %arg3[%add3A, %dma_start3A_85, %dma_start3A_86] : memref<32x4x128xi32, #tpu.memory_space<hbm>> -> memref<1x4x128xi32, #tpu.memory_space<hbm>>
      %dma_start3A_88 = tpu.memref_squeeze %dma_start3A_87 : memref<1x4x128xi32, #tpu.memory_space<hbm>> -> memref<4x128xi32, #tpu.memory_space<hbm>>
      tpu.enqueue_dma source(%dma_start3A_88 : memref<4x128xi32, #tpu.memory_space<hbm>>) target(%arg5 : memref<4x128xi32, #tpu.memory_space<vmem>>) target_semaphore(%run_scoped3A : memref<!tpu.dma_semaphore, #tpu.memory_space<semaphore_mem>>)
      %dma_wait3A_89 = arith.constant 0 : i32
      %dma_wait3A_90 = arith.constant 0 : i32
      %dma_wait3A_91 = tpu.memref_slice %arg3[%add3A, %dma_wait3A_89, %dma_wait3A_90] : memref<32x4x128xi32, #tpu.memory_space<hbm>> -> memref<1x4x128xi32, #tpu.memory_space<hbm>>
      %dma_wait3A_92 = tpu.memref_squeeze %dma_wait3A_91 : memref<1x4x128xi32, #tpu.memory_space<hbm>> -> memref<4x128xi32, #tpu.memory_space<hbm>>
      %dma_wait3A_93 = arith.constant 0 : i32
      %dma_wait3A_94 = arith.constant 0 : i32
      %dma_wait3A_95 = tpu.memref_slice %arg3[%add3A, %dma_wait3A_93, %dma_wait3A_94] : memref<32x4x128xi32, #tpu.memory_space<hbm>> -> memref<1x4x128xi32, #tpu.memory_space<hbm>>
      %dma_wait3A_96 = tpu.memref_squeeze %dma_wait3A_95 : memref<1x4x128xi32, #tpu.memory_space<hbm>> -> memref<4x128xi32, #tpu.memory_space<hbm>>
      tpu.wait_dma2 semaphore(%run_scoped3A : memref<!tpu.dma_semaphore, #tpu.memory_space<semaphore_mem>>) src(%dma_wait3A_96 : memref<4x128xi32, #tpu.memory_space<hbm>>) dst(%arg5 : memref<4x128xi32, #tpu.memory_space<vmem>>)
      tpu.yield
    }) : () -> ()
    %dma_start3A = arith.constant 0 : i32
    %dma_start3A_1 = arith.constant 0 : i32
    %dma_start3A_2 = arith.constant 0 : i32
    %dma_start3A_3 = tpu.memref_slice %arg6[%dma_start3A_1, %dma_start3A_2] : memref<512x128xf32, #tpu.memory_space<vmem>> -> memref<128x128xf32, #tpu.memory_space<vmem>>
    %dma_start3A_4 = arith.constant 0 : i32
    %dma_start3A_5 = tpu.memref_slice %arg5[%dma_start3A, %dma_start3A_4] : memref<4x128xi32, #tpu.memory_space<vmem>> -> memref<1x128xi32, #tpu.memory_space<vmem>>
    %dma_start3A_6 = tpu.memref_squeeze %dma_start3A_5 : memref<1x128xi32, #tpu.memory_space<vmem>> -> memref<128xi32, #tpu.memory_space<vmem>>
    %dma_start3A_7 = arith.constant 0 : i32
    %dma_start3A_8 = arith.constant 0 : i32
    %dma_start3A_9 = tpu.memref_slice %arg2[%dma_start3A_7, %dma_start3A_8] : memref<250000x128xf32, #tpu.memory_space<hbm>> -> memref<250000x128xf32, #tpu.memory_space<hbm>>
    tpu.enqueue_indirect_dma source(%dma_start3A_9 : memref<250000x128xf32, #tpu.memory_space<hbm>>) target(%dma_start3A_3 : memref<128x128xf32, #tpu.memory_space<vmem>>) offsets(%dma_start3A_6 : memref<128xi32, #tpu.memory_space<vmem>>) semaphore(%arg7 : memref<!tpu.dma_semaphore, #tpu.memory_space<semaphore_mem>>)
    %dma_start3A_10 = arith.constant 1 : i32
    %dma_start3A_11 = arith.constant 128 : i32
    %dma_start3A_12 = arith.constant 0 : i32
    %dma_start3A_13 = tpu.memref_slice %arg6[%dma_start3A_11, %dma_start3A_12] : memref<512x128xf32, #tpu.memory_space<vmem>> -> memref<128x128xf32, #tpu.memory_space<vmem>>
    %dma_start3A_14 = arith.constant 0 : i32
    %dma_start3A_15 = tpu.memref_slice %arg5[%dma_start3A_10, %dma_start3A_14] : memref<4x128xi32, #tpu.memory_space<vmem>> -> memref<1x128xi32, #tpu.memory_space<vmem>>
    %dma_start3A_16 = tpu.memref_squeeze %dma_start3A_15 : memref<1x128xi32, #tpu.memory_space<vmem>> -> memref<128xi32, #tpu.memory_space<vmem>>
    %dma_start3A_17 = arith.constant 0 : i32
    %dma_start3A_18 = arith.constant 0 : i32
    %dma_start3A_19 = tpu.memref_slice %arg2[%dma_start3A_17, %dma_start3A_18] : memref<250000x128xf32, #tpu.memory_space<hbm>> -> memref<250000x128xf32, #tpu.memory_space<hbm>>
    tpu.enqueue_indirect_dma source(%dma_start3A_19 : memref<250000x128xf32, #tpu.memory_space<hbm>>) target(%dma_start3A_13 : memref<128x128xf32, #tpu.memory_space<vmem>>) offsets(%dma_start3A_16 : memref<128xi32, #tpu.memory_space<vmem>>) semaphore(%arg7 : memref<!tpu.dma_semaphore, #tpu.memory_space<semaphore_mem>>)
    %dma_start3A_20 = arith.constant 2 : i32
    %dma_start3A_21 = arith.constant 256 : i32
    %dma_start3A_22 = arith.constant 0 : i32
    %dma_start3A_23 = tpu.memref_slice %arg6[%dma_start3A_21, %dma_start3A_22] : memref<512x128xf32, #tpu.memory_space<vmem>> -> memref<128x128xf32, #tpu.memory_space<vmem>>
    %dma_start3A_24 = arith.constant 0 : i32
    %dma_start3A_25 = tpu.memref_slice %arg5[%dma_start3A_20, %dma_start3A_24] : memref<4x128xi32, #tpu.memory_space<vmem>> -> memref<1x128xi32, #tpu.memory_space<vmem>>
    %dma_start3A_26 = tpu.memref_squeeze %dma_start3A_25 : memref<1x128xi32, #tpu.memory_space<vmem>> -> memref<128xi32, #tpu.memory_space<vmem>>
    %dma_start3A_27 = arith.constant 0 : i32
    %dma_start3A_28 = arith.constant 0 : i32
    %dma_start3A_29 = tpu.memref_slice %arg2[%dma_start3A_27, %dma_start3A_28] : memref<250000x128xf32, #tpu.memory_space<hbm>> -> memref<250000x128xf32, #tpu.memory_space<hbm>>
    tpu.enqueue_indirect_dma source(%dma_start3A_29 : memref<250000x128xf32, #tpu.memory_space<hbm>>) target(%dma_start3A_23 : memref<128x128xf32, #tpu.memory_space<vmem>>) offsets(%dma_start3A_26 : memref<128xi32, #tpu.memory_space<vmem>>) semaphore(%arg7 : memref<!tpu.dma_semaphore, #tpu.memory_space<semaphore_mem>>)
    %dma_start3A_30 = arith.constant 3 : i32
    %dma_start3A_31 = arith.constant 384 : i32
    %dma_start3A_32 = arith.constant 0 : i32
    %dma_start3A_33 = tpu.memref_slice %arg6[%dma_start3A_31, %dma_start3A_32] : memref<512x128xf32, #tpu.memory_space<vmem>> -> memref<128x128xf32, #tpu.memory_space<vmem>>
    %dma_start3A_34 = arith.constant 0 : i32
    %dma_start3A_35 = tpu.memref_slice %arg5[%dma_start3A_30, %dma_start3A_34] : memref<4x128xi32, #tpu.memory_space<vmem>> -> memref<1x128xi32, #tpu.memory_space<vmem>>
    %dma_start3A_36 = tpu.memref_squeeze %dma_start3A_35 : memref<1x128xi32, #tpu.memory_space<vmem>> -> memref<128xi32, #tpu.memory_space<vmem>>
    %dma_start3A_37 = arith.constant 0 : i32
    %dma_start3A_38 = arith.constant 0 : i32
    %dma_start3A_39 = tpu.memref_slice %arg2[%dma_start3A_37, %dma_start3A_38] : memref<250000x128xf32, #tpu.memory_space<hbm>> -> memref<250000x128xf32, #tpu.memory_space<hbm>>
    tpu.enqueue_indirect_dma source(%dma_start3A_39 : memref<250000x128xf32, #tpu.memory_space<hbm>>) target(%dma_start3A_33 : memref<128x128xf32, #tpu.memory_space<vmem>>) offsets(%dma_start3A_36 : memref<128xi32, #tpu.memory_space<vmem>>) semaphore(%arg7 : memref<!tpu.dma_semaphore, #tpu.memory_space<semaphore_mem>>)
    %dma_wait3A = arith.constant 0 : i32
    %dma_wait3A_40 = arith.constant 0 : i32
    %dma_wait3A_41 = arith.constant 0 : i32
    %dma_wait3A_42 = tpu.memref_slice %arg6[%dma_wait3A_40, %dma_wait3A_41] : memref<512x128xf32, #tpu.memory_space<vmem>> -> memref<128x128xf32, #tpu.memory_space<vmem>>
    %dma_wait3A_43 = arith.constant 0 : i32
    %dma_wait3A_44 = tpu.memref_slice %arg5[%dma_wait3A, %dma_wait3A_43] : memref<4x128xi32, #tpu.memory_space<vmem>> -> memref<1x128xi32, #tpu.memory_space<vmem>>
    %dma_wait3A_45 = tpu.memref_squeeze %dma_wait3A_44 : memref<1x128xi32, #tpu.memory_space<vmem>> -> memref<128xi32, #tpu.memory_space<vmem>>
    %dma_wait3A_46 = arith.constant 0 : i32
    %dma_wait3A_47 = arith.constant 0 : i32
    %dma_wait3A_48 = tpu.memref_slice %arg2[%dma_wait3A_46, %dma_wait3A_47] : memref<250000x128xf32, #tpu.memory_space<hbm>> -> memref<250000x128xf32, #tpu.memory_space<hbm>>
    tpu.wait_indirect_dma semaphore(%arg7 : memref<!tpu.dma_semaphore, #tpu.memory_space<semaphore_mem>>) src(%dma_wait3A_48 : memref<250000x128xf32, #tpu.memory_space<hbm>>) dst(%dma_wait3A_42 : memref<128x128xf32, #tpu.memory_space<vmem>>)
    %dma_wait3A_49 = arith.constant 1 : i32
    %dma_wait3A_50 = arith.constant 128 : i32
    %dma_wait3A_51 = arith.constant 0 : i32
    %dma_wait3A_52 = tpu.memref_slice %arg6[%dma_wait3A_50, %dma_wait3A_51] : memref<512x128xf32, #tpu.memory_space<vmem>> -> memref<128x128xf32, #tpu.memory_space<vmem>>
    %dma_wait3A_53 = arith.constant 0 : i32
    %dma_wait3A_54 = tpu.memref_slice %arg5[%dma_wait3A_49, %dma_wait3A_53] : memref<4x128xi32, #tpu.memory_space<vmem>> -> memref<1x128xi32, #tpu.memory_space<vmem>>
    %dma_wait3A_55 = tpu.memref_squeeze %dma_wait3A_54 : memref<1x128xi32, #tpu.memory_space<vmem>> -> memref<128xi32, #tpu.memory_space<vmem>>
    %dma_wait3A_56 = arith.constant 0 : i32
    %dma_wait3A_57 = arith.constant 0 : i32
    %dma_wait3A_58 = tpu.memref_slice %arg2[%dma_wait3A_56, %dma_wait3A_57] : memref<250000x128xf32, #tpu.memory_space<hbm>> -> memref<250000x128xf32, #tpu.memory_space<hbm>>
    tpu.wait_indirect_dma semaphore(%arg7 : memref<!tpu.dma_semaphore, #tpu.memory_space<semaphore_mem>>) src(%dma_wait3A_58 : memref<250000x128xf32, #tpu.memory_space<hbm>>) dst(%dma_wait3A_52 : memref<128x128xf32, #tpu.memory_space<vmem>>)
    %dma_wait3A_59 = arith.constant 2 : i32
    %dma_wait3A_60 = arith.constant 256 : i32
    %dma_wait3A_61 = arith.constant 0 : i32
    %dma_wait3A_62 = tpu.memref_slice %arg6[%dma_wait3A_60, %dma_wait3A_61] : memref<512x128xf32, #tpu.memory_space<vmem>> -> memref<128x128xf32, #tpu.memory_space<vmem>>
    %dma_wait3A_63 = arith.constant 0 : i32
    %dma_wait3A_64 = tpu.memref_slice %arg5[%dma_wait3A_59, %dma_wait3A_63] : memref<4x128xi32, #tpu.memory_space<vmem>> -> memref<1x128xi32, #tpu.memory_space<vmem>>
    %dma_wait3A_65 = tpu.memref_squeeze %dma_wait3A_64 : memref<1x128xi32, #tpu.memory_space<vmem>> -> memref<128xi32, #tpu.memory_space<vmem>>
    %dma_wait3A_66 = arith.constant 0 : i32
    %dma_wait3A_67 = arith.constant 0 : i32
    %dma_wait3A_68 = tpu.memref_slice %arg2[%dma_wait3A_66, %dma_wait3A_67] : memref<250000x128xf32, #tpu.memory_space<hbm>> -> memref<250000x128xf32, #tpu.memory_space<hbm>>
    tpu.wait_indirect_dma semaphore(%arg7 : memref<!tpu.dma_semaphore, #tpu.memory_space<semaphore_mem>>) src(%dma_wait3A_68 : memref<250000x128xf32, #tpu.memory_space<hbm>>) dst(%dma_wait3A_62 : memref<128x128xf32, #tpu.memory_space<vmem>>)
    %dma_wait3A_69 = arith.constant 3 : i32
    %dma_wait3A_70 = arith.constant 384 : i32
    %dma_wait3A_71 = arith.constant 0 : i32
    %dma_wait3A_72 = tpu.memref_slice %arg6[%dma_wait3A_70, %dma_wait3A_71] : memref<512x128xf32, #tpu.memory_space<vmem>> -> memref<128x128xf32, #tpu.memory_space<vmem>>
    %dma_wait3A_73 = arith.constant 0 : i32
    %dma_wait3A_74 = tpu.memref_slice %arg5[%dma_wait3A_69, %dma_wait3A_73] : memref<4x128xi32, #tpu.memory_space<vmem>> -> memref<1x128xi32, #tpu.memory_space<vmem>>
    %dma_wait3A_75 = tpu.memref_squeeze %dma_wait3A_74 : memref<1x128xi32, #tpu.memory_space<vmem>> -> memref<128xi32, #tpu.memory_space<vmem>>
    %dma_wait3A_76 = arith.constant 0 : i32
    %dma_wait3A_77 = arith.constant 0 : i32
    %dma_wait3A_78 = tpu.memref_slice %arg2[%dma_wait3A_76, %dma_wait3A_77] : memref<250000x128xf32, #tpu.memory_space<hbm>> -> memref<250000x128xf32, #tpu.memory_space<hbm>>
    tpu.wait_indirect_dma semaphore(%arg7 : memref<!tpu.dma_semaphore, #tpu.memory_space<semaphore_mem>>) src(%dma_wait3A_78 : memref<250000x128xf32, #tpu.memory_space<hbm>>) dst(%dma_wait3A_72 : memref<128x128xf32, #tpu.memory_space<vmem>>)
    %mul3A_79 = arith.constant 512 : i32
    %mul3A_80 = arith.muli %add3A, %mul3A_79 : i32
    "tpu.region"() ({
      %run_scoped3A = tpu.sem_alloc : memref<!tpu.dma_semaphore, #tpu.memory_space<semaphore_mem>>
      %dma_start3A_81 = arith.constant 0 : i32
      %dma_start3A_82 = tpu.memref_slice %arg4[%mul3A_80, %dma_start3A_81] : memref<16384x128xf32, #tpu.memory_space<hbm>> -> memref<512x128xf32, #tpu.memory_space<hbm>>
      %dma_start3A_83 = arith.constant 0 : i32
      %dma_start3A_84 = tpu.memref_slice %arg4[%mul3A_80, %dma_start3A_83] : memref<16384x128xf32, #tpu.memory_space<hbm>> -> memref<512x128xf32, #tpu.memory_space<hbm>>
      tpu.enqueue_dma source(%arg6 : memref<512x128xf32, #tpu.memory_space<vmem>>) target(%dma_start3A_84 : memref<512x128xf32, #tpu.memory_space<hbm>>) target_semaphore(%run_scoped3A : memref<!tpu.dma_semaphore, #tpu.memory_space<semaphore_mem>>)
      %dma_wait3A_85 = arith.constant 0 : i32
      %dma_wait3A_86 = tpu.memref_slice %arg4[%mul3A_80, %dma_wait3A_85] : memref<16384x128xf32, #tpu.memory_space<hbm>> -> memref<512x128xf32, #tpu.memory_space<hbm>>
      %dma_wait3A_87 = arith.constant 0 : i32
      %dma_wait3A_88 = tpu.memref_slice %arg4[%mul3A_80, %dma_wait3A_87] : memref<16384x128xf32, #tpu.memory_space<hbm>> -> memref<512x128xf32, #tpu.memory_space<hbm>>
      tpu.wait_dma2 semaphore(%run_scoped3A : memref<!tpu.dma_semaphore, #tpu.memory_space<semaphore_mem>>) src(%arg6 : memref<512x128xf32, #tpu.memory_space<vmem>>) dst(%dma_wait3A_88 : memref<512x128xf32, #tpu.memory_space<hbm>>)
      tpu.yield
    }) : () -> ()
    return
  }
}

#map = affine_map<(d0, d1) -> (0, 0)>
#map1 = affine_map<(d0, d1) -> (0, 0, 0)>
module attributes {stable_mosaic.version = 14 : i64} {
  func.func @k(%arg0: i32, %arg1: i32, %arg2: memref<16384x16xf32, #tpu.memory_space<hbm>>, %arg3: memref<16x8x128xi32, #tpu.memory_space<hbm>>, %arg4: memref<4096x16xf32, #tpu.memory_space<hbm>>, %arg5: memref<8x128xi32, #tpu.memory_space<vmem>>, %arg6: memref<1024x16xf32, #tpu.memory_space<vmem>>, %arg7: memref<256x16xf32, #tpu.memory_space<vmem>>, %arg8: memref<4096x16xf32, #tpu.memory_space<vmem_shared>>, %arg9: memref<!tpu.dma_semaphore, #tpu.memory_space<semaphore_mem>>) attributes {dimension_semantics = [#tpu.dimension_semantics<core_parallel>, #tpu.dimension_semantics<subcore_parallel>], iteration_bounds = array<i64: 1, 16>, scalar_prefetch = 0 : i64, scratch_operands = 5 : i64, tpu.core_type = #tpu.core_type<sc_vector_subcore>, window_params = [{transform_indices = #map}, {transform_indices = #map1}, {transform_indices = #map}]} {
    %scan3A = arith.constant 0 : i32
    %scan3A_0 = arith.constant 0 : i32
    %scan3A_1 = arith.constant 256 : i32
    %scan3A_2 = arith.addi %scan3A_0, %scan3A_1 : i32
    %scan3A_3 = arith.constant 1 : i32
    scf.for %scan3A_20 = %scan3A_0 to %scan3A_2 step %scan3A_3  : i32 {
      %broadcast_in_dim3A = arith.constant 0.000000e+00 : f32
      %broadcast_in_dim3A_21 = vector.broadcast %broadcast_in_dim3A : f32 to vector<16xf32>
      %swap3A = arith.index_cast %scan3A_20 : i32 to index
      %swap3A_22 = arith.constant 0 : index
      %swap3A_23 = tpu.vector_load %arg7[%swap3A, %swap3A_22] {strides = array<i32>} : memref<256x16xf32, #tpu.memory_space<vmem>>, vector<1x16xf32>,
      %swap3A_24 = vector.shape_cast %swap3A_23 : vector<1x16xf32> to vector<16xf32>
      %swap3A_25 = vector.shape_cast %broadcast_in_dim3A_21 : vector<16xf32> to vector<1x16xf32>
      tpu.vector_store %arg7[%swap3A, %swap3A_22], %swap3A_25 {strides = array<i32>} : memref<256x16xf32, #tpu.memory_space<vmem>>, vector<1x16xf32>,
    }
    %scan3A_4 = arith.constant 256 : i32
    %mul3A = arith.constant 256 : i32
    %mul3A_5 = arith.muli %arg1, %mul3A : i32
    "tpu.region"() ({
      %run_scoped3A_20 = tpu.sem_alloc : memref<!tpu.dma_semaphore, #tpu.memory_space<semaphore_mem>>
      %dma_start3A = arith.constant 0 : i32
      %dma_start3A_21 = tpu.memref_slice %arg8[%mul3A_5, %dma_start3A] : memref<4096x16xf32, #tpu.memory_space<vmem_shared>> -> memref<256x16xf32, #tpu.memory_space<vmem_shared>>
      %dma_start3A_22 = arith.constant 0 : i32
      %dma_start3A_23 = tpu.memref_slice %arg8[%mul3A_5, %dma_start3A_22] : memref<4096x16xf32, #tpu.memory_space<vmem_shared>> -> memref<256x16xf32, #tpu.memory_space<vmem_shared>>
      tpu.enqueue_dma source(%arg7 : memref<256x16xf32, #tpu.memory_space<vmem>>) target(%dma_start3A_23 : memref<256x16xf32, #tpu.memory_space<vmem_shared>>) target_semaphore(%run_scoped3A_20 : memref<!tpu.dma_semaphore, #tpu.memory_space<semaphore_mem>>)
      %dma_wait3A = arith.constant 0 : i32
      %dma_wait3A_24 = tpu.memref_slice %arg8[%mul3A_5, %dma_wait3A] : memref<4096x16xf32, #tpu.memory_space<vmem_shared>> -> memref<256x16xf32, #tpu.memory_space<vmem_shared>>
      %dma_wait3A_25 = arith.constant 0 : i32
      %dma_wait3A_26 = tpu.memref_slice %arg8[%mul3A_5, %dma_wait3A_25] : memref<4096x16xf32, #tpu.memory_space<vmem_shared>> -> memref<256x16xf32, #tpu.memory_space<vmem_shared>>
      tpu.wait_dma2 semaphore(%run_scoped3A_20 : memref<!tpu.dma_semaphore, #tpu.memory_space<semaphore_mem>>) src(%arg7 : memref<256x16xf32, #tpu.memory_space<vmem>>) dst(%dma_wait3A_26 : memref<256x16xf32, #tpu.memory_space<vmem_shared>>)
      tpu.yield
    }) : () -> ()
    "tpu.region"() ({
      %run_scoped3A_20 = tpu.sem_alloc : memref<!tpu.dma_semaphore, #tpu.memory_space<semaphore_mem>>
      %dma_start3A = arith.constant 0 : i32
      %dma_start3A_21 = arith.constant 0 : i32
      %dma_start3A_22 = tpu.memref_slice %arg3[%arg1, %dma_start3A, %dma_start3A_21] : memref<16x8x128xi32, #tpu.memory_space<hbm>> -> memref<1x8x128xi32, #tpu.memory_space<hbm>>
      %dma_start3A_23 = tpu.memref_squeeze %dma_start3A_22 : memref<1x8x128xi32, #tpu.memory_space<hbm>> -> memref<8x128xi32, #tpu.memory_space<hbm>>
      %dma_start3A_24 = arith.constant 0 : i32
      %dma_start3A_25 = arith.constant 0 : i32
      %dma_start3A_26 = tpu.memref_slice %arg3[%arg1, %dma_start3A_24, %dma_start3A_25] : memref<16x8x128xi32, #tpu.memory_space<hbm>> -> memref<1x8x128xi32, #tpu.memory_space<hbm>>
      %dma_start3A_27 = tpu.memref_squeeze %dma_start3A_26 : memref<1x8x128xi32, #tpu.memory_space<hbm>> -> memref<8x128xi32, #tpu.memory_space<hbm>>
      tpu.enqueue_dma source(%dma_start3A_27 : memref<8x128xi32, #tpu.memory_space<hbm>>) target(%arg5 : memref<8x128xi32, #tpu.memory_space<vmem>>) target_semaphore(%run_scoped3A_20 : memref<!tpu.dma_semaphore, #tpu.memory_space<semaphore_mem>>)
      %dma_wait3A = arith.constant 0 : i32
      %dma_wait3A_28 = arith.constant 0 : i32
      %dma_wait3A_29 = tpu.memref_slice %arg3[%arg1, %dma_wait3A, %dma_wait3A_28] : memref<16x8x128xi32, #tpu.memory_space<hbm>> -> memref<1x8x128xi32, #tpu.memory_space<hbm>>
      %dma_wait3A_30 = tpu.memref_squeeze %dma_wait3A_29 : memref<1x8x128xi32, #tpu.memory_space<hbm>> -> memref<8x128xi32, #tpu.memory_space<hbm>>
      %dma_wait3A_31 = arith.constant 0 : i32
      %dma_wait3A_32 = arith.constant 0 : i32
      %dma_wait3A_33 = tpu.memref_slice %arg3[%arg1, %dma_wait3A_31, %dma_wait3A_32] : memref<16x8x128xi32, #tpu.memory_space<hbm>> -> memref<1x8x128xi32, #tpu.memory_space<hbm>>
      %dma_wait3A_34 = tpu.memref_squeeze %dma_wait3A_33 : memref<1x8x128xi32, #tpu.memory_space<hbm>> -> memref<8x128xi32, #tpu.memory_space<hbm>>
      tpu.wait_dma2 semaphore(%run_scoped3A_20 : memref<!tpu.dma_semaphore, #tpu.memory_space<semaphore_mem>>) src(%dma_wait3A_34 : memref<8x128xi32, #tpu.memory_space<hbm>>) dst(%arg5 : memref<8x128xi32, #tpu.memory_space<vmem>>)
      tpu.yield
    }) : () -> ()
    %mul3A_6 = arith.constant 1024 : i32
    %mul3A_7 = arith.muli %arg1, %mul3A_6 : i32
    "tpu.region"() ({
      %run_scoped3A_20 = tpu.sem_alloc : memref<!tpu.dma_semaphore, #tpu.memory_space<semaphore_mem>>
      %dma_start3A = arith.constant 0 : i32
      %dma_start3A_21 = tpu.memref_slice %arg2[%mul3A_7, %dma_start3A] : memref<16384x16xf32, #tpu.memory_space<hbm>> -> memref<1024x16xf32, #tpu.memory_space<hbm>>
      %dma_start3A_22 = arith.constant 0 : i32
      %dma_start3A_23 = tpu.memref_slice %arg2[%mul3A_7, %dma_start3A_22] : memref<16384x16xf32, #tpu.memory_space<hbm>> -> memref<1024x16xf32, #tpu.memory_space<hbm>>
      tpu.enqueue_dma source(%dma_start3A_23 : memref<1024x16xf32, #tpu.memory_space<hbm>>) target(%arg6 : memref<1024x16xf32, #tpu.memory_space<vmem>>) target_semaphore(%run_scoped3A_20 : memref<!tpu.dma_semaphore, #tpu.memory_space<semaphore_mem>>)
      %dma_wait3A = arith.constant 0 : i32
      %dma_wait3A_24 = tpu.memref_slice %arg2[%mul3A_7, %dma_wait3A] : memref<16384x16xf32, #tpu.memory_space<hbm>> -> memref<1024x16xf32, #tpu.memory_space<hbm>>
      %dma_wait3A_25 = arith.constant 0 : i32
      %dma_wait3A_26 = tpu.memref_slice %arg2[%mul3A_7, %dma_wait3A_25] : memref<16384x16xf32, #tpu.memory_space<hbm>> -> memref<1024x16xf32, #tpu.memory_space<hbm>>
      tpu.wait_dma2 semaphore(%run_scoped3A_20 : memref<!tpu.dma_semaphore, #tpu.memory_space<semaphore_mem>>) src(%dma_wait3A_26 : memref<1024x16xf32, #tpu.memory_space<hbm>>) dst(%arg6 : memref<1024x16xf32, #tpu.memory_space<vmem>>)
      tpu.yield
    }) : () -> ()
    %barrier3A = arith.constant 0 : index
    tpu.barrier barrier_id(%barrier3A)
    %run_scoped3A = arith.constant 0 : i32
    "tpu.region"() ({
      %run_scoped3A_20 = tpu.sem_alloc : memref<!tpu.dma_semaphore, #tpu.memory_space<semaphore_mem>>
      %dma_start3A = arith.constant 0 : i32
      %dma_start3A_21 = arith.constant 0 : i32
      %dma_start3A_22 = tpu.memref_slice %arg6[%dma_start3A, %dma_start3A_21] : memref<1024x16xf32, #tpu.memory_space<vmem>> -> memref<128x16xf32, #tpu.memory_space<vmem>>
      %dma_start3A_23 = arith.constant 0 : i32
      %dma_start3A_24 = tpu.memref_slice %arg5[%run_scoped3A, %dma_start3A_23] : memref<8x128xi32, #tpu.memory_space<vmem>> -> memref<1x128xi32, #tpu.memory_space<vmem>>
      %dma_start3A_25 = tpu.memref_squeeze %dma_start3A_24 : memref<1x128xi32, #tpu.memory_space<vmem>> -> memref<128xi32, #tpu.memory_space<vmem>>
      %dma_start3A_26 = arith.constant 0 : i32
      %dma_start3A_27 = arith.constant 0 : i32
      %dma_start3A_28 = tpu.memref_slice %arg8[%dma_start3A_26, %dma_start3A_27] : memref<4096x16xf32, #tpu.memory_space<vmem_shared>> -> memref<4096x16xf32, #tpu.memory_space<vmem_shared>>
      tpu.enqueue_indirect_dma source(%dma_start3A_22 : memref<128x16xf32, #tpu.memory_space<vmem>>) target(%dma_start3A_28 : memref<4096x16xf32, #tpu.memory_space<vmem_shared>>) offsets(%dma_start3A_25 : memref<128xi32, #tpu.memory_space<vmem>>) semaphore(%run_scoped3A_20 : memref<!tpu.dma_semaphore, #tpu.memory_space<semaphore_mem>>) {add = true}
      %dma_wait3A = arith.constant 0 : i32
      %dma_wait3A_29 = arith.constant 0 : i32
      %dma_wait3A_30 = tpu.memref_slice %arg6[%dma_wait3A, %dma_wait3A_29] : memref<1024x16xf32, #tpu.memory_space<vmem>> -> memref<128x16xf32, #tpu.memory_space<vmem>>
      %dma_wait3A_31 = arith.constant 0 : i32
      %dma_wait3A_32 = tpu.memref_slice %arg5[%run_scoped3A, %dma_wait3A_31] : memref<8x128xi32, #tpu.memory_space<vmem>> -> memref<1x128xi32, #tpu.memory_space<vmem>>
      %dma_wait3A_33 = tpu.memref_squeeze %dma_wait3A_32 : memref<1x128xi32, #tpu.memory_space<vmem>> -> memref<128xi32, #tpu.memory_space<vmem>>
      %dma_wait3A_34 = arith.constant 0 : i32
      %dma_wait3A_35 = arith.constant 0 : i32
      %dma_wait3A_36 = tpu.memref_slice %arg8[%dma_wait3A_34, %dma_wait3A_35] : memref<4096x16xf32, #tpu.memory_space<vmem_shared>> -> memref<4096x16xf32, #tpu.memory_space<vmem_shared>>
      tpu.wait_indirect_dma semaphore(%run_scoped3A_20 : memref<!tpu.dma_semaphore, #tpu.memory_space<semaphore_mem>>) src(%dma_wait3A_30 : memref<128x16xf32, #tpu.memory_space<vmem>>) dst(%dma_wait3A_36 : memref<4096x16xf32, #tpu.memory_space<vmem_shared>>)
      tpu.yield
    }) : () -> ()
    %run_scoped3A_8 = arith.constant 1 : i32
    "tpu.region"() ({
      %run_scoped3A_20 = tpu.sem_alloc : memref<!tpu.dma_semaphore, #tpu.memory_space<semaphore_mem>>
      %dma_start3A = arith.constant 128 : i32
      %dma_start3A_21 = arith.constant 0 : i32
      %dma_start3A_22 = tpu.memref_slice %arg6[%dma_start3A, %dma_start3A_21] : memref<1024x16xf32, #tpu.memory_space<vmem>> -> memref<128x16xf32, #tpu.memory_space<vmem>>
      %dma_start3A_23 = arith.constant 0 : i32
      %dma_start3A_24 = tpu.memref_slice %arg5[%run_scoped3A_8, %dma_start3A_23] : memref<8x128xi32, #tpu.memory_space<vmem>> -> memref<1x128xi32, #tpu.memory_space<vmem>>
      %dma_start3A_25 = tpu.memref_squeeze %dma_start3A_24 : memref<1x128xi32, #tpu.memory_space<vmem>> -> memref<128xi32, #tpu.memory_space<vmem>>
      %dma_start3A_26 = arith.constant 0 : i32
      %dma_start3A_27 = arith.constant 0 : i32
      %dma_start3A_28 = tpu.memref_slice %arg8[%dma_start3A_26, %dma_start3A_27] : memref<4096x16xf32, #tpu.memory_space<vmem_shared>> -> memref<4096x16xf32, #tpu.memory_space<vmem_shared>>
      tpu.enqueue_indirect_dma source(%dma_start3A_22 : memref<128x16xf32, #tpu.memory_space<vmem>>) target(%dma_start3A_28 : memref<4096x16xf32, #tpu.memory_space<vmem_shared>>) offsets(%dma_start3A_25 : memref<128xi32, #tpu.memory_space<vmem>>) semaphore(%run_scoped3A_20 : memref<!tpu.dma_semaphore, #tpu.memory_space<semaphore_mem>>) {add = true}
      %dma_wait3A = arith.constant 128 : i32
      %dma_wait3A_29 = arith.constant 0 : i32
      %dma_wait3A_30 = tpu.memref_slice %arg6[%dma_wait3A, %dma_wait3A_29] : memref<1024x16xf32, #tpu.memory_space<vmem>> -> memref<128x16xf32, #tpu.memory_space<vmem>>
      %dma_wait3A_31 = arith.constant 0 : i32
      %dma_wait3A_32 = tpu.memref_slice %arg5[%run_scoped3A_8, %dma_wait3A_31] : memref<8x128xi32, #tpu.memory_space<vmem>> -> memref<1x128xi32, #tpu.memory_space<vmem>>
      %dma_wait3A_33 = tpu.memref_squeeze %dma_wait3A_32 : memref<1x128xi32, #tpu.memory_space<vmem>> -> memref<128xi32, #tpu.memory_space<vmem>>
      %dma_wait3A_34 = arith.constant 0 : i32
      %dma_wait3A_35 = arith.constant 0 : i32
      %dma_wait3A_36 = tpu.memref_slice %arg8[%dma_wait3A_34, %dma_wait3A_35] : memref<4096x16xf32, #tpu.memory_space<vmem_shared>> -> memref<4096x16xf32, #tpu.memory_space<vmem_shared>>
      tpu.wait_indirect_dma semaphore(%run_scoped3A_20 : memref<!tpu.dma_semaphore, #tpu.memory_space<semaphore_mem>>) src(%dma_wait3A_30 : memref<128x16xf32, #tpu.memory_space<vmem>>) dst(%dma_wait3A_36 : memref<4096x16xf32, #tpu.memory_space<vmem_shared>>)
      tpu.yield
    }) : () -> ()
    %run_scoped3A_9 = arith.constant 2 : i32
    "tpu.region"() ({
      %run_scoped3A_20 = tpu.sem_alloc : memref<!tpu.dma_semaphore, #tpu.memory_space<semaphore_mem>>
      %dma_start3A = arith.constant 256 : i32
      %dma_start3A_21 = arith.constant 0 : i32
      %dma_start3A_22 = tpu.memref_slice %arg6[%dma_start3A, %dma_start3A_21] : memref<1024x16xf32, #tpu.memory_space<vmem>> -> memref<128x16xf32, #tpu.memory_space<vmem>>
      %dma_start3A_23 = arith.constant 0 : i32
      %dma_start3A_24 = tpu.memref_slice %arg5[%run_scoped3A_9, %dma_start3A_23] : memref<8x128xi32, #tpu.memory_space<vmem>> -> memref<1x128xi32, #tpu.memory_space<vmem>>
      %dma_start3A_25 = tpu.memref_squeeze %dma_start3A_24 : memref<1x128xi32, #tpu.memory_space<vmem>> -> memref<128xi32, #tpu.memory_space<vmem>>
      %dma_start3A_26 = arith.constant 0 : i32
      %dma_start3A_27 = arith.constant 0 : i32
      %dma_start3A_28 = tpu.memref_slice %arg8[%dma_start3A_26, %dma_start3A_27] : memref<4096x16xf32, #tpu.memory_space<vmem_shared>> -> memref<4096x16xf32, #tpu.memory_space<vmem_shared>>
      tpu.enqueue_indirect_dma source(%dma_start3A_22 : memref<128x16xf32, #tpu.memory_space<vmem>>) target(%dma_start3A_28 : memref<4096x16xf32, #tpu.memory_space<vmem_shared>>) offsets(%dma_start3A_25 : memref<128xi32, #tpu.memory_space<vmem>>) semaphore(%run_scoped3A_20 : memref<!tpu.dma_semaphore, #tpu.memory_space<semaphore_mem>>) {add = true}
      %dma_wait3A = arith.constant 256 : i32
      %dma_wait3A_29 = arith.constant 0 : i32
      %dma_wait3A_30 = tpu.memref_slice %arg6[%dma_wait3A, %dma_wait3A_29] : memref<1024x16xf32, #tpu.memory_space<vmem>> -> memref<128x16xf32, #tpu.memory_space<vmem>>
      %dma_wait3A_31 = arith.constant 0 : i32
      %dma_wait3A_32 = tpu.memref_slice %arg5[%run_scoped3A_9, %dma_wait3A_31] : memref<8x128xi32, #tpu.memory_space<vmem>> -> memref<1x128xi32, #tpu.memory_space<vmem>>
      %dma_wait3A_33 = tpu.memref_squeeze %dma_wait3A_32 : memref<1x128xi32, #tpu.memory_space<vmem>> -> memref<128xi32, #tpu.memory_space<vmem>>
      %dma_wait3A_34 = arith.constant 0 : i32
      %dma_wait3A_35 = arith.constant 0 : i32
      %dma_wait3A_36 = tpu.memref_slice %arg8[%dma_wait3A_34, %dma_wait3A_35] : memref<4096x16xf32, #tpu.memory_space<vmem_shared>> -> memref<4096x16xf32, #tpu.memory_space<vmem_shared>>
      tpu.wait_indirect_dma semaphore(%run_scoped3A_20 : memref<!tpu.dma_semaphore, #tpu.memory_space<semaphore_mem>>) src(%dma_wait3A_30 : memref<128x16xf32, #tpu.memory_space<vmem>>) dst(%dma_wait3A_36 : memref<4096x16xf32, #tpu.memory_space<vmem_shared>>)
      tpu.yield
    }) : () -> ()
    %run_scoped3A_10 = arith.constant 3 : i32
    "tpu.region"() ({
      %run_scoped3A_20 = tpu.sem_alloc : memref<!tpu.dma_semaphore, #tpu.memory_space<semaphore_mem>>
      %dma_start3A = arith.constant 384 : i32
      %dma_start3A_21 = arith.constant 0 : i32
      %dma_start3A_22 = tpu.memref_slice %arg6[%dma_start3A, %dma_start3A_21] : memref<1024x16xf32, #tpu.memory_space<vmem>> -> memref<128x16xf32, #tpu.memory_space<vmem>>
      %dma_start3A_23 = arith.constant 0 : i32
      %dma_start3A_24 = tpu.memref_slice %arg5[%run_scoped3A_10, %dma_start3A_23] : memref<8x128xi32, #tpu.memory_space<vmem>> -> memref<1x128xi32, #tpu.memory_space<vmem>>
      %dma_start3A_25 = tpu.memref_squeeze %dma_start3A_24 : memref<1x128xi32, #tpu.memory_space<vmem>> -> memref<128xi32, #tpu.memory_space<vmem>>
      %dma_start3A_26 = arith.constant 0 : i32
      %dma_start3A_27 = arith.constant 0 : i32
      %dma_start3A_28 = tpu.memref_slice %arg8[%dma_start3A_26, %dma_start3A_27] : memref<4096x16xf32, #tpu.memory_space<vmem_shared>> -> memref<4096x16xf32, #tpu.memory_space<vmem_shared>>
      tpu.enqueue_indirect_dma source(%dma_start3A_22 : memref<128x16xf32, #tpu.memory_space<vmem>>) target(%dma_start3A_28 : memref<4096x16xf32, #tpu.memory_space<vmem_shared>>) offsets(%dma_start3A_25 : memref<128xi32, #tpu.memory_space<vmem>>) semaphore(%run_scoped3A_20 : memref<!tpu.dma_semaphore, #tpu.memory_space<semaphore_mem>>) {add = true}
      %dma_wait3A = arith.constant 384 : i32
      %dma_wait3A_29 = arith.constant 0 : i32
      %dma_wait3A_30 = tpu.memref_slice %arg6[%dma_wait3A, %dma_wait3A_29] : memref<1024x16xf32, #tpu.memory_space<vmem>> -> memref<128x16xf32, #tpu.memory_space<vmem>>
      %dma_wait3A_31 = arith.constant 0 : i32
      %dma_wait3A_32 = tpu.memref_slice %arg5[%run_scoped3A_10, %dma_wait3A_31] : memref<8x128xi32, #tpu.memory_space<vmem>> -> memref<1x128xi32, #tpu.memory_space<vmem>>
      %dma_wait3A_33 = tpu.memref_squeeze %dma_wait3A_32 : memref<1x128xi32, #tpu.memory_space<vmem>> -> memref<128xi32, #tpu.memory_space<vmem>>
      %dma_wait3A_34 = arith.constant 0 : i32
      %dma_wait3A_35 = arith.constant 0 : i32
      %dma_wait3A_36 = tpu.memref_slice %arg8[%dma_wait3A_34, %dma_wait3A_35] : memref<4096x16xf32, #tpu.memory_space<vmem_shared>> -> memref<4096x16xf32, #tpu.memory_space<vmem_shared>>
      tpu.wait_indirect_dma semaphore(%run_scoped3A_20 : memref<!tpu.dma_semaphore, #tpu.memory_space<semaphore_mem>>) src(%dma_wait3A_30 : memref<128x16xf32, #tpu.memory_space<vmem>>) dst(%dma_wait3A_36 : memref<4096x16xf32, #tpu.memory_space<vmem_shared>>)
      tpu.yield
    }) : () -> ()
    %run_scoped3A_11 = arith.constant 4 : i32
    "tpu.region"() ({
      %run_scoped3A_20 = tpu.sem_alloc : memref<!tpu.dma_semaphore, #tpu.memory_space<semaphore_mem>>
      %dma_start3A = arith.constant 512 : i32
      %dma_start3A_21 = arith.constant 0 : i32
      %dma_start3A_22 = tpu.memref_slice %arg6[%dma_start3A, %dma_start3A_21] : memref<1024x16xf32, #tpu.memory_space<vmem>> -> memref<128x16xf32, #tpu.memory_space<vmem>>
      %dma_start3A_23 = arith.constant 0 : i32
      %dma_start3A_24 = tpu.memref_slice %arg5[%run_scoped3A_11, %dma_start3A_23] : memref<8x128xi32, #tpu.memory_space<vmem>> -> memref<1x128xi32, #tpu.memory_space<vmem>>
      %dma_start3A_25 = tpu.memref_squeeze %dma_start3A_24 : memref<1x128xi32, #tpu.memory_space<vmem>> -> memref<128xi32, #tpu.memory_space<vmem>>
      %dma_start3A_26 = arith.constant 0 : i32
      %dma_start3A_27 = arith.constant 0 : i32
      %dma_start3A_28 = tpu.memref_slice %arg8[%dma_start3A_26, %dma_start3A_27] : memref<4096x16xf32, #tpu.memory_space<vmem_shared>> -> memref<4096x16xf32, #tpu.memory_space<vmem_shared>>
      tpu.enqueue_indirect_dma source(%dma_start3A_22 : memref<128x16xf32, #tpu.memory_space<vmem>>) target(%dma_start3A_28 : memref<4096x16xf32, #tpu.memory_space<vmem_shared>>) offsets(%dma_start3A_25 : memref<128xi32, #tpu.memory_space<vmem>>) semaphore(%run_scoped3A_20 : memref<!tpu.dma_semaphore, #tpu.memory_space<semaphore_mem>>) {add = true}
      %dma_wait3A = arith.constant 512 : i32
      %dma_wait3A_29 = arith.constant 0 : i32
      %dma_wait3A_30 = tpu.memref_slice %arg6[%dma_wait3A, %dma_wait3A_29] : memref<1024x16xf32, #tpu.memory_space<vmem>> -> memref<128x16xf32, #tpu.memory_space<vmem>>
      %dma_wait3A_31 = arith.constant 0 : i32
      %dma_wait3A_32 = tpu.memref_slice %arg5[%run_scoped3A_11, %dma_wait3A_31] : memref<8x128xi32, #tpu.memory_space<vmem>> -> memref<1x128xi32, #tpu.memory_space<vmem>>
      %dma_wait3A_33 = tpu.memref_squeeze %dma_wait3A_32 : memref<1x128xi32, #tpu.memory_space<vmem>> -> memref<128xi32, #tpu.memory_space<vmem>>
      %dma_wait3A_34 = arith.constant 0 : i32
      %dma_wait3A_35 = arith.constant 0 : i32
      %dma_wait3A_36 = tpu.memref_slice %arg8[%dma_wait3A_34, %dma_wait3A_35] : memref<4096x16xf32, #tpu.memory_space<vmem_shared>> -> memref<4096x16xf32, #tpu.memory_space<vmem_shared>>
      tpu.wait_indirect_dma semaphore(%run_scoped3A_20 : memref<!tpu.dma_semaphore, #tpu.memory_space<semaphore_mem>>) src(%dma_wait3A_30 : memref<128x16xf32, #tpu.memory_space<vmem>>) dst(%dma_wait3A_36 : memref<4096x16xf32, #tpu.memory_space<vmem_shared>>)
      tpu.yield
    }) : () -> ()
    %run_scoped3A_12 = arith.constant 5 : i32
    "tpu.region"() ({
      %run_scoped3A_20 = tpu.sem_alloc : memref<!tpu.dma_semaphore, #tpu.memory_space<semaphore_mem>>
      %dma_start3A = arith.constant 640 : i32
      %dma_start3A_21 = arith.constant 0 : i32
      %dma_start3A_22 = tpu.memref_slice %arg6[%dma_start3A, %dma_start3A_21] : memref<1024x16xf32, #tpu.memory_space<vmem>> -> memref<128x16xf32, #tpu.memory_space<vmem>>
      %dma_start3A_23 = arith.constant 0 : i32
      %dma_start3A_24 = tpu.memref_slice %arg5[%run_scoped3A_12, %dma_start3A_23] : memref<8x128xi32, #tpu.memory_space<vmem>> -> memref<1x128xi32, #tpu.memory_space<vmem>>
      %dma_start3A_25 = tpu.memref_squeeze %dma_start3A_24 : memref<1x128xi32, #tpu.memory_space<vmem>> -> memref<128xi32, #tpu.memory_space<vmem>>
      %dma_start3A_26 = arith.constant 0 : i32
      %dma_start3A_27 = arith.constant 0 : i32
      %dma_start3A_28 = tpu.memref_slice %arg8[%dma_start3A_26, %dma_start3A_27] : memref<4096x16xf32, #tpu.memory_space<vmem_shared>> -> memref<4096x16xf32, #tpu.memory_space<vmem_shared>>
      tpu.enqueue_indirect_dma source(%dma_start3A_22 : memref<128x16xf32, #tpu.memory_space<vmem>>) target(%dma_start3A_28 : memref<4096x16xf32, #tpu.memory_space<vmem_shared>>) offsets(%dma_start3A_25 : memref<128xi32, #tpu.memory_space<vmem>>) semaphore(%run_scoped3A_20 : memref<!tpu.dma_semaphore, #tpu.memory_space<semaphore_mem>>) {add = true}
      %dma_wait3A = arith.constant 640 : i32
      %dma_wait3A_29 = arith.constant 0 : i32
      %dma_wait3A_30 = tpu.memref_slice %arg6[%dma_wait3A, %dma_wait3A_29] : memref<1024x16xf32, #tpu.memory_space<vmem>> -> memref<128x16xf32, #tpu.memory_space<vmem>>
      %dma_wait3A_31 = arith.constant 0 : i32
      %dma_wait3A_32 = tpu.memref_slice %arg5[%run_scoped3A_12, %dma_wait3A_31] : memref<8x128xi32, #tpu.memory_space<vmem>> -> memref<1x128xi32, #tpu.memory_space<vmem>>
      %dma_wait3A_33 = tpu.memref_squeeze %dma_wait3A_32 : memref<1x128xi32, #tpu.memory_space<vmem>> -> memref<128xi32, #tpu.memory_space<vmem>>
      %dma_wait3A_34 = arith.constant 0 : i32
      %dma_wait3A_35 = arith.constant 0 : i32
      %dma_wait3A_36 = tpu.memref_slice %arg8[%dma_wait3A_34, %dma_wait3A_35] : memref<4096x16xf32, #tpu.memory_space<vmem_shared>> -> memref<4096x16xf32, #tpu.memory_space<vmem_shared>>
      tpu.wait_indirect_dma semaphore(%run_scoped3A_20 : memref<!tpu.dma_semaphore, #tpu.memory_space<semaphore_mem>>) src(%dma_wait3A_30 : memref<128x16xf32, #tpu.memory_space<vmem>>) dst(%dma_wait3A_36 : memref<4096x16xf32, #tpu.memory_space<vmem_shared>>)
      tpu.yield
    }) : () -> ()
    %run_scoped3A_13 = arith.constant 6 : i32
    "tpu.region"() ({
      %run_scoped3A_20 = tpu.sem_alloc : memref<!tpu.dma_semaphore, #tpu.memory_space<semaphore_mem>>
      %dma_start3A = arith.constant 768 : i32
      %dma_start3A_21 = arith.constant 0 : i32
      %dma_start3A_22 = tpu.memref_slice %arg6[%dma_start3A, %dma_start3A_21] : memref<1024x16xf32, #tpu.memory_space<vmem>> -> memref<128x16xf32, #tpu.memory_space<vmem>>
      %dma_start3A_23 = arith.constant 0 : i32
      %dma_start3A_24 = tpu.memref_slice %arg5[%run_scoped3A_13, %dma_start3A_23] : memref<8x128xi32, #tpu.memory_space<vmem>> -> memref<1x128xi32, #tpu.memory_space<vmem>>
      %dma_start3A_25 = tpu.memref_squeeze %dma_start3A_24 : memref<1x128xi32, #tpu.memory_space<vmem>> -> memref<128xi32, #tpu.memory_space<vmem>>
      %dma_start3A_26 = arith.constant 0 : i32
      %dma_start3A_27 = arith.constant 0 : i32
      %dma_start3A_28 = tpu.memref_slice %arg8[%dma_start3A_26, %dma_start3A_27] : memref<4096x16xf32, #tpu.memory_space<vmem_shared>> -> memref<4096x16xf32, #tpu.memory_space<vmem_shared>>
      tpu.enqueue_indirect_dma source(%dma_start3A_22 : memref<128x16xf32, #tpu.memory_space<vmem>>) target(%dma_start3A_28 : memref<4096x16xf32, #tpu.memory_space<vmem_shared>>) offsets(%dma_start3A_25 : memref<128xi32, #tpu.memory_space<vmem>>) semaphore(%run_scoped3A_20 : memref<!tpu.dma_semaphore, #tpu.memory_space<semaphore_mem>>) {add = true}
      %dma_wait3A = arith.constant 768 : i32
      %dma_wait3A_29 = arith.constant 0 : i32
      %dma_wait3A_30 = tpu.memref_slice %arg6[%dma_wait3A, %dma_wait3A_29] : memref<1024x16xf32, #tpu.memory_space<vmem>> -> memref<128x16xf32, #tpu.memory_space<vmem>>
      %dma_wait3A_31 = arith.constant 0 : i32
      %dma_wait3A_32 = tpu.memref_slice %arg5[%run_scoped3A_13, %dma_wait3A_31] : memref<8x128xi32, #tpu.memory_space<vmem>> -> memref<1x128xi32, #tpu.memory_space<vmem>>
      %dma_wait3A_33 = tpu.memref_squeeze %dma_wait3A_32 : memref<1x128xi32, #tpu.memory_space<vmem>> -> memref<128xi32, #tpu.memory_space<vmem>>
      %dma_wait3A_34 = arith.constant 0 : i32
      %dma_wait3A_35 = arith.constant 0 : i32
      %dma_wait3A_36 = tpu.memref_slice %arg8[%dma_wait3A_34, %dma_wait3A_35] : memref<4096x16xf32, #tpu.memory_space<vmem_shared>> -> memref<4096x16xf32, #tpu.memory_space<vmem_shared>>
      tpu.wait_indirect_dma semaphore(%run_scoped3A_20 : memref<!tpu.dma_semaphore, #tpu.memory_space<semaphore_mem>>) src(%dma_wait3A_30 : memref<128x16xf32, #tpu.memory_space<vmem>>) dst(%dma_wait3A_36 : memref<4096x16xf32, #tpu.memory_space<vmem_shared>>)
      tpu.yield
    }) : () -> ()
    %run_scoped3A_14 = arith.constant 7 : i32
    "tpu.region"() ({
      %run_scoped3A_20 = tpu.sem_alloc : memref<!tpu.dma_semaphore, #tpu.memory_space<semaphore_mem>>
      %dma_start3A = arith.constant 896 : i32
      %dma_start3A_21 = arith.constant 0 : i32
      %dma_start3A_22 = tpu.memref_slice %arg6[%dma_start3A, %dma_start3A_21] : memref<1024x16xf32, #tpu.memory_space<vmem>> -> memref<128x16xf32, #tpu.memory_space<vmem>>
      %dma_start3A_23 = arith.constant 0 : i32
      %dma_start3A_24 = tpu.memref_slice %arg5[%run_scoped3A_14, %dma_start3A_23] : memref<8x128xi32, #tpu.memory_space<vmem>> -> memref<1x128xi32, #tpu.memory_space<vmem>>
      %dma_start3A_25 = tpu.memref_squeeze %dma_start3A_24 : memref<1x128xi32, #tpu.memory_space<vmem>> -> memref<128xi32, #tpu.memory_space<vmem>>
      %dma_start3A_26 = arith.constant 0 : i32
      %dma_start3A_27 = arith.constant 0 : i32
      %dma_start3A_28 = tpu.memref_slice %arg8[%dma_start3A_26, %dma_start3A_27] : memref<4096x16xf32, #tpu.memory_space<vmem_shared>> -> memref<4096x16xf32, #tpu.memory_space<vmem_shared>>
      tpu.enqueue_indirect_dma source(%dma_start3A_22 : memref<128x16xf32, #tpu.memory_space<vmem>>) target(%dma_start3A_28 : memref<4096x16xf32, #tpu.memory_space<vmem_shared>>) offsets(%dma_start3A_25 : memref<128xi32, #tpu.memory_space<vmem>>) semaphore(%run_scoped3A_20 : memref<!tpu.dma_semaphore, #tpu.memory_space<semaphore_mem>>) {add = true}
      %dma_wait3A = arith.constant 896 : i32
      %dma_wait3A_29 = arith.constant 0 : i32
      %dma_wait3A_30 = tpu.memref_slice %arg6[%dma_wait3A, %dma_wait3A_29] : memref<1024x16xf32, #tpu.memory_space<vmem>> -> memref<128x16xf32, #tpu.memory_space<vmem>>
      %dma_wait3A_31 = arith.constant 0 : i32
      %dma_wait3A_32 = tpu.memref_slice %arg5[%run_scoped3A_14, %dma_wait3A_31] : memref<8x128xi32, #tpu.memory_space<vmem>> -> memref<1x128xi32, #tpu.memory_space<vmem>>
      %dma_wait3A_33 = tpu.memref_squeeze %dma_wait3A_32 : memref<1x128xi32, #tpu.memory_space<vmem>> -> memref<128xi32, #tpu.memory_space<vmem>>
      %dma_wait3A_34 = arith.constant 0 : i32
      %dma_wait3A_35 = arith.constant 0 : i32
      %dma_wait3A_36 = tpu.memref_slice %arg8[%dma_wait3A_34, %dma_wait3A_35] : memref<4096x16xf32, #tpu.memory_space<vmem_shared>> -> memref<4096x16xf32, #tpu.memory_space<vmem_shared>>
      tpu.wait_indirect_dma semaphore(%run_scoped3A_20 : memref<!tpu.dma_semaphore, #tpu.memory_space<semaphore_mem>>) src(%dma_wait3A_30 : memref<128x16xf32, #tpu.memory_space<vmem>>) dst(%dma_wait3A_36 : memref<4096x16xf32, #tpu.memory_space<vmem_shared>>)
      tpu.yield
    }) : () -> ()
    %barrier3A_15 = arith.constant 0 : index
    tpu.barrier barrier_id(%barrier3A_15)
    %mul3A_16 = arith.constant 256 : i32
    %mul3A_17 = arith.muli %arg1, %mul3A_16 : i32
    %mul3A_18 = arith.constant 256 : i32
    %mul3A_19 = arith.muli %arg1, %mul3A_18 : i32
    "tpu.region"() ({
      %run_scoped3A_20 = tpu.sem_alloc : memref<!tpu.dma_semaphore, #tpu.memory_space<semaphore_mem>>
      %dma_start3A = arith.constant 0 : i32
      %dma_start3A_21 = tpu.memref_slice %arg4[%mul3A_19, %dma_start3A] : memref<4096x16xf32, #tpu.memory_space<hbm>> -> memref<256x16xf32, #tpu.memory_space<hbm>>
      %dma_start3A_22 = arith.constant 0 : i32
      %dma_start3A_23 = tpu.memref_slice %arg8[%mul3A_17, %dma_start3A_22] : memref<4096x16xf32, #tpu.memory_space<vmem_shared>> -> memref<256x16xf32, #tpu.memory_space<vmem_shared>>
      tpu.enqueue_dma source(%dma_start3A_23 : memref<256x16xf32, #tpu.memory_space<vmem_shared>>) target(%dma_start3A_21 : memref<256x16xf32, #tpu.memory_space<hbm>>) target_semaphore(%run_scoped3A_20 : memref<!tpu.dma_semaphore, #tpu.memory_space<semaphore_mem>>)
      %dma_wait3A = arith.constant 0 : i32
      %dma_wait3A_24 = tpu.memref_slice %arg4[%mul3A_19, %dma_wait3A] : memref<4096x16xf32, #tpu.memory_space<hbm>> -> memref<256x16xf32, #tpu.memory_space<hbm>>
      %dma_wait3A_25 = arith.constant 0 : i32
      %dma_wait3A_26 = tpu.memref_slice %arg8[%mul3A_17, %dma_wait3A_25] : memref<4096x16xf32, #tpu.memory_space<vmem_shared>> -> memref<256x16xf32, #tpu.memory_space<vmem_shared>>
      tpu.wait_dma2 semaphore(%run_scoped3A_20 : memref<!tpu.dma_semaphore, #tpu.memory_space<semaphore_mem>>) src(%dma_wait3A_26 : memref<256x16xf32, #tpu.memory_space<vmem_shared>>) dst(%dma_wait3A_24 : memref<256x16xf32, #tpu.memory_space<hbm>>)
      tpu.yield
    }) : () -> ()
    return
  }
}

module attributes {stable_mosaic.version = 14 : i64} {
  func.func @body(%arg0: i32, %arg1: memref<16x32xf32, #tpu.memory_space<vmem>>, %arg2: memref<2048x128xf32, #tpu.memory_space<vmem>>, %arg3: memref<2048x1xi32, #tpu.memory_space<vmem>>, %arg4: memref<2048x1xi32, #tpu.memory_space<vmem>>, %arg5: memref<2048x1xf32, #tpu.memory_space<vmem>>, %arg6: memref<2048x16xf32, #tpu.memory_space<vmem>>) attributes {dimension_semantics = [#tpu.dimension_semantics<arbitrary>], iteration_bounds = array<i64: 8>, scalar_prefetch = 0 : i64, scratch_operands = 0 : i64, tpu.core_type = #tpu.core_type<tc>, window_params = [{pipeline_mode = #tpu.pipeline_mode<synchronous>, transform_indices = @transform_0, window_bounds = array<i64: 16, 32>}, {transform_indices = @transform_1, window_bounds = array<i64: 2048, 128>}, {transform_indices = @transform_2, window_bounds = array<i64: 2048, 1>}, {transform_indices = @transform_3, window_bounds = array<i64: 2048, 1>}, {transform_indices = @transform_4, window_bounds = array<i64: 2048, 1>}, {transform_indices = @transform_5, window_bounds = array<i64: 2048, 16>}]} {
    %get3A = arith.constant 0 : index
    %get3A_0 = arith.constant 0 : index
    %get3A_1 = vector.load %arg1[%get3A, %get3A_0] : memref<16x32xf32, #tpu.memory_space<vmem>>, vector<16x32xf32>
    %exp3A = math.exp %get3A_1 : vector<16x32xf32>
    %exp3A_2 = math.exp %exp3A : vector<16x32xf32>
    %get3A_3 = arith.constant 0 : index
    %get3A_4 = arith.constant 0 : index
    %get3A_5 = vector.load %arg2[%get3A_3, %get3A_4] : memref<2048x128xf32, #tpu.memory_space<vmem>>, vector<2048x128xf32>
    %get3A_6 = arith.constant 0 : index
    %get3A_7 = arith.constant 0 : index
    %get3A_8 = vector.load %arg3[%get3A_6, %get3A_7] : memref<2048x1xi32, #tpu.memory_space<vmem>>, vector<2048x1xi32>
    %broadcast_in_dim3A = arith.constant 0.000000e+00 : f32
    %broadcast_in_dim3A_9 = vector.broadcast %broadcast_in_dim3A : f32 to vector<2048x32xf32>
    %eq3A = arith.constant 0 : i32
    %eq3A_10 = vector.broadcast %eq3A : i32 to vector<2048x1xi32>
    %eq3A_11 = arith.cmpi eq, %get3A_8, %eq3A_10 : vector<2048x1xi32>
    %convert_element_type3A = arith.extui %eq3A_11 : vector<2048x1xi1> to vector<2048x1xi32>
    %convert_element_type3A_12 = arith.sitofp %convert_element_type3A : vector<2048x1xi32> to vector<2048x1xf32>
    %slice3A = vector.extract_strided_slice %get3A_5 {offsets = [0, 0], sizes = [2048, 32], strides = [1, 1]} : vector<2048x128xf32> to vector<2048x32xf32>
    %mul3A = vector.broadcast %convert_element_type3A_12 : vector<2048x1xf32> to vector<2048x32xf32>
    %mul3A_13 = arith.mulf %mul3A, %slice3A : vector<2048x32xf32>
    %add3A = arith.addf %broadcast_in_dim3A_9, %mul3A_13 : vector<2048x32xf32>
    %eq3A_14 = arith.constant 1 : i32
    %eq3A_15 = vector.broadcast %eq3A_14 : i32 to vector<2048x1xi32>
    %eq3A_16 = arith.cmpi eq, %get3A_8, %eq3A_15 : vector<2048x1xi32>
    %convert_element_type3A_17 = arith.extui %eq3A_16 : vector<2048x1xi1> to vector<2048x1xi32>
    %convert_element_type3A_18 = arith.sitofp %convert_element_type3A_17 : vector<2048x1xi32> to vector<2048x1xf32>
    %slice3A_19 = vector.extract_strided_slice %get3A_5 {offsets = [0, 32], sizes = [2048, 32], strides = [1, 1]} : vector<2048x128xf32> to vector<2048x32xf32>
    %mul3A_20 = vector.broadcast %convert_element_type3A_18 : vector<2048x1xf32> to vector<2048x32xf32>
    %mul3A_21 = arith.mulf %mul3A_20, %slice3A_19 : vector<2048x32xf32>
    %add3A_22 = arith.addf %add3A, %mul3A_21 : vector<2048x32xf32>
    %eq3A_23 = arith.constant 2 : i32
    %eq3A_24 = vector.broadcast %eq3A_23 : i32 to vector<2048x1xi32>
    %eq3A_25 = arith.cmpi eq, %get3A_8, %eq3A_24 : vector<2048x1xi32>
    %convert_element_type3A_26 = arith.extui %eq3A_25 : vector<2048x1xi1> to vector<2048x1xi32>
    %convert_element_type3A_27 = arith.sitofp %convert_element_type3A_26 : vector<2048x1xi32> to vector<2048x1xf32>
    %slice3A_28 = vector.extract_strided_slice %get3A_5 {offsets = [0, 64], sizes = [2048, 32], strides = [1, 1]} : vector<2048x128xf32> to vector<2048x32xf32>
    %mul3A_29 = vector.broadcast %convert_element_type3A_27 : vector<2048x1xf32> to vector<2048x32xf32>
    %mul3A_30 = arith.mulf %mul3A_29, %slice3A_28 : vector<2048x32xf32>
    %add3A_31 = arith.addf %add3A_22, %mul3A_30 : vector<2048x32xf32>
    %eq3A_32 = arith.constant 3 : i32
    %eq3A_33 = vector.broadcast %eq3A_32 : i32 to vector<2048x1xi32>
    %eq3A_34 = arith.cmpi eq, %get3A_8, %eq3A_33 : vector<2048x1xi32>
    %convert_element_type3A_35 = arith.extui %eq3A_34 : vector<2048x1xi1> to vector<2048x1xi32>
    %convert_element_type3A_36 = arith.sitofp %convert_element_type3A_35 : vector<2048x1xi32> to vector<2048x1xf32>
    %slice3A_37 = vector.extract_strided_slice %get3A_5 {offsets = [0, 96], sizes = [2048, 32], strides = [1, 1]} : vector<2048x128xf32> to vector<2048x32xf32>
    %mul3A_38 = vector.broadcast %convert_element_type3A_36 : vector<2048x1xf32> to vector<2048x32xf32>
    %mul3A_39 = arith.mulf %mul3A_38, %slice3A_37 : vector<2048x32xf32>
    %add3A_40 = arith.addf %add3A_31, %mul3A_39 : vector<2048x32xf32>
    %exp3A_41 = math.exp %add3A_40 : vector<2048x32xf32>
    %dot_general3A = arith.constant dense<0.000000e+00> : vector<2048x16xf32>
    %dot_general3A_42 = tpu.matmul %exp3A_41, %exp3A_2, %dot_general3A {dimension_numbers = #tpu.dot_dimension_numbers<[1], [1], [0], [0], [0, 0, 1, 0], [], []>, transpose_lhs_hint = false} : vector<2048x32xf32>, vector<16x32xf32>, vector<2048x16xf32> -> vector<2048x16xf32>
    %get3A_43 = arith.constant 0 : index
    %get3A_44 = arith.constant 0 : index
    %get3A_45 = vector.load %arg4[%get3A_43, %get3A_44] : memref<2048x1xi32, #tpu.memory_space<vmem>>, vector<2048x1xi32>
    %iota3A = tpu.iota {dimensions = array<i32: 1>} : vector<2048x32xi32>
    %eq3A_46 = vector.broadcast %get3A_45 : vector<2048x1xi32> to vector<2048x32xi32>
    %eq3A_47 = arith.cmpi eq, %eq3A_46, %iota3A : vector<2048x32xi32>
    %convert_element_type3A_48 = arith.extui %eq3A_47 : vector<2048x32xi1> to vector<2048x32xi32>
    %convert_element_type3A_49 = arith.sitofp %convert_element_type3A_48 : vector<2048x32xi32> to vector<2048x32xf32>
    %mul3A_50 = arith.mulf %add3A_40, %convert_element_type3A_49 : vector<2048x32xf32>
    %reduce_sum3A = arith.constant dense<0.000000e+00> : vector<2048xf32>
    %reduce_sum3A_51 = vector.multi_reduction <add>, %mul3A_50, %reduce_sum3A [1] : vector<2048x32xf32> to vector<2048xf32>
    %broadcast_in_dim3A_52 = vector.shape_cast %reduce_sum3A_51 : vector<2048xf32> to vector<2048x1xf32>
    %dot_general3A_53 = arith.constant dense<0.000000e+00> : vector<2048x16xf32>
    %dot_general3A_54 = tpu.matmul %convert_element_type3A_49, %exp3A, %dot_general3A_53 {dimension_numbers = #tpu.dot_dimension_numbers<[1], [1], [0], [0], [0, 0, 1, 0], [], []>, transpose_lhs_hint = false} : vector<2048x32xf32>, vector<16x32xf32>, vector<2048x16xf32> -> vector<2048x16xf32>
    %get3A_55 = arith.constant 0 : index
    %get3A_56 = arith.constant 0 : index
    %get3A_57 = vector.load %arg5[%get3A_55, %get3A_56] : memref<2048x1xf32, #tpu.memory_space<vmem>>, vector<2048x1xf32>
    %add3A_58 = vector.broadcast %broadcast_in_dim3A_52 : vector<2048x1xf32> to vector<2048x16xf32>
    %add3A_59 = arith.addf %dot_general3A_54, %add3A_58 : vector<2048x16xf32>
    %log3A = math.log %dot_general3A_42 : vector<2048x16xf32>
    %sub3A = arith.subf %add3A_59, %log3A : vector<2048x16xf32>
    %mul3A_60 = vector.broadcast %get3A_57 : vector<2048x1xf32> to vector<2048x16xf32>
    %mul3A_61 = arith.mulf %mul3A_60, %sub3A : vector<2048x16xf32>
    %swap3A = arith.constant 0 : index
    %swap3A_62 = arith.constant 0 : index
    %swap3A_63 = vector.load %arg6[%swap3A, %swap3A_62] : memref<2048x16xf32, #tpu.memory_space<vmem>>, vector<2048x16xf32>
    tpu.vector_store %arg6[%swap3A, %swap3A_62], %mul3A_61 {strides = array<i32>} : memref<2048x16xf32, #tpu.memory_space<vmem>>, vector<2048x16xf32>,
    return
  }
  func.func @transform_0(%arg0: i32) -> (i32, i32) {
    %c0_i32 = arith.constant 0 : i32
    %c0_i32_0 = arith.constant 0 : i32
    %c0_i32_1 = arith.constant 0 : i32
    return %c0_i32, %c0_i32_0 : i32, i32
  }
  func.func @transform_1(%arg0: i32) -> (i32, i32) {
    %c0_i32 = arith.constant 0 : i32
    %c0_i32_0 = arith.constant 0 : i32
    return %arg0, %c0_i32 : i32, i32
  }
  func.func @transform_2(%arg0: i32) -> (i32, i32) {
    %c0_i32 = arith.constant 0 : i32
    %c0_i32_0 = arith.constant 0 : i32
    return %arg0, %c0_i32 : i32, i32
  }
  func.func @transform_3(%arg0: i32) -> (i32, i32) {
    %c0_i32 = arith.constant 0 : i32
    %c0_i32_0 = arith.constant 0 : i32
    return %arg0, %c0_i32 : i32, i32
  }
  func.func @transform_4(%arg0: i32) -> (i32, i32) {
    %c0_i32 = arith.constant 0 : i32
    %c0_i32_0 = arith.constant 0 : i32
    return %arg0, %c0_i32 : i32, i32
  }
  func.func @transform_5(%arg0: i32) -> (i32, i32) {
    %c0_i32 = arith.constant 0 : i32
    %c0_i32_0 = arith.constant 0 : i32
    return %arg0, %c0_i32 : i32, i32
  }
}

</mosaic_0001>

<sc_bundles>
// kernel: kernel.5.cloned.1.call-start
scs
__scs_entry_jumppad:
0x0: {  	(pc) =	sbr.rel $0x88, $3  }
0x1: {  	(tag) =	ssettag $0x0;
	lr =	simm.s32 $0x1  }
0x2: {  	[smem:$0x3F9B] =	sst lr;
	_ =	strace $0xD0000000  }
0x3: {  	_ = 	snop  }
0x4: {  	_ = 	snop  }
0x5: {  	_ = 	snop  }
0x6: {  	_ = 	snop  }
0x7: {  	_ = 	snop  }
__scs_overlays_trampoline_lowered:
0x8: {  	[smem:$0x3FAA] =	sst s0  }
0x9: {  	[smem:$0x3FAB] =	sst s1  }
0xa: {  	[smem:$0x3FAC] =	sst s2  }
0xb: {  	[smem:$0x3FAD] =	sst s3  }
0xc: {  	[smem:$0x3FAE] =	sst s4  }
0xd: {  	[smem:$0x3FAF] =	sst s5  }
0xe: {  	[smem:$0x3FB0] =	sst s6  }
0xf: {  	[smem:$0x3FB1] =	sst s7  }
0x10: {  	[smem:$0x3FB2] =	sst s8  }
0x11: {  	[smem:$0x3FB3] =	sst s9;
	s0 =	simm.s32 @!p0 $0x0  }
0x12: {  	s1 =	sld [smem:$0x3F99];
	s0 =	simm.s32 @p0 $0x1  }
0x13: {  	[smem:$0x3FB4] =	sst s0;
	s0 =	simm.s32 @!p1 $0x0  }
0x14: {  	s2 =	sld [smem:$0x3F98];
	s0 =	simm.s32 @p1 $0x1  }
0x15: {  	[smem:$0x3FB5] =	sst s0;
	s0 =	simm.s32 @!p2 $0x0  }
0x16: {  	s3 =	sld [smem:$0x3FDB];
	s0 =	simm.s32 @p2 $0x1  }
0x17: {  	s4 =	simm.s32 $0x1BF5;
	[smem:$0x3FB7] =	sst s0  }
0x18: {  	s0 =	sld [smem:$0x3F9A];
	_ =	swait.ge [sflag:s4], $0x0  }
0x19: {  	s7 =	sld [smem:$0x3F9B]  }
0x1a: {  	s8 =	sadd.s32 $0xFFFFE003, lr  }
0x1b: {  	s9 =	sadd.s32 $0xFFFFFEF7, lr;
	s5 =	simm.s32 $0xFFFFFFFF;
	p2 =	slt.u32 s8, $0xFFFFF086  }
0x1c: {  	p1 =	slt.u32 s9, $0xF7A;
	s5 =	simm.s32 @!p2 $0x0  }
0x1d: {  	s5 =	simm.s32 @p1 $0x1;
	p0 =	seq.s32 s7, s2  }
0x1e: {  	s7 =	smul.u32 @!p0 $0xF7A, s2;
	p2 =	seq.s32 @!p0 s5, $0x0  }
0x1f: {  	s9 =	smul.u32 $0xF7A, s1;
	s8 =	simm.s32 @!p0 $0x1BF5;
	p2 =	por !p2, p0  }
0x20: {  	[sflag:s8] =	ssyncset.s32 @!p0 $0xFFFFF086;
	s6 =	sadd.s32 @!p0 s3, s7;
	s7 =	simm.s32 @!p0 $0x108  }
0x21: {  	s3 =	sadd.s32 s3, s9;
	s6 =	sadd.s32 @!p0 $0x88, s6;
	s7 =	simm.s32 @p2 $0x1082  }
0x22: {  	[simem:s7], [sflag:s8] =	dma.local @!p0 [hbm:s6], $0xF7A  }
0x23: {  	s9 =	sor.u32 $0xD0000000, s2;
	s6 =	simm.s32 $0x108;
	_ =	swait.ge @!p0 [sflag:s8], $0x0  }
0x24: {  	s3 =	sadd.s32 $0x88, s3;
	s6 =	simm.s32 @!p1 $0x1082;
	[sflag:s4] =	ssyncset.s32 $0xFFFFF086  }
0x25: {  	[simem:s6], [sflag:s4] =	dma.local [hbm:s3], $0xF7A  }
0x26: {  	[smem:$0x3F9B] =	sst s1;
	(tag) =	ssettag s2;
	_ =	strace s9  }
0x27: {  	s1 =	sld [smem:$0x3FAB]  }
0x28: {  	s2 =	sld [smem:$0x3FAC]  }
0x29: {  	s4 =	sld [smem:$0x3FAE]  }
0x2a: {  	p0 =	seq.s32 s5, $0x0;
	s5 =	sld [smem:$0x3FAF]  }
0x2b: {  	s6 =	sld [smem:$0x3FB0]  }
0x2c: {  	s7 =	sld [smem:$0x3FB1]  }
0x2d: {  	s3 =	simm.s32 $0x108;
	s8 =	sld [smem:$0x3FB2]  }
0x2e: {  	s3 =	simm.s32 @!p0 $0x1082;
	s9 =	sld [smem:$0x3FB3]  }
0x2f: {  	lr =	sadd.s32 s0, s3;
	s0 =	sld [smem:$0x3FAA]  }
0x30: {  	s3 =	sld [smem:$0x3FAD]  }
0x31: {  	[smem:$0x3FB6] =	sst s10  }
0x32: {  	s10 =	sld [smem:$0x3FB4];
	_ =	sdelay $0x3  }
0x33: {  	p0 =	seq.s32 s10, $0x1;
	s10 =	sld [smem:$0x3FB6];
	_ =	sdelay $0x3  }
0x34: {  	[smem:$0x3FB6] =	sst s10  }
0x35: {  	s10 =	sld [smem:$0x3FB5];
	_ =	sdelay $0x3  }
0x36: {  	p1 =	seq.s32 s10, $0x1;
	s10 =	sld [smem:$0x3FB6];
	_ =	sdelay $0x3  }
0x37: {  	[smem:$0x3FB6] =	sst s10  }
0x38: {  	s10 =	sld [smem:$0x3FB7]  }
0x39: {  	_ = 	snop;
	(pc) =	sbr.ind lr, $3  }
0x3a: {  	_ = 	snop  }
0x3b: {  	_ = 	snop  }
0x3c: {  	p2 =	seq.s32 s10, $0x1;
	s10 =	sld [smem:$0x3FB6]  }
0x3d: {  	_ =	shalt  }
0x3e: {  	_ =	shalt  }
0x3f: {  	_ =	shalt  }
0x40: {  	_ =	shalt  }
0x41: {  	_ =	shalt  }
0x42: {  	_ =	shalt  }
0x43: {  	_ =	shalt  }
0x44: {  	_ =	shalt  }
0x45: {  	_ =	shalt  }
0x46: {  	_ =	shalt  }
0x47: {  	_ =	shalt  }
0x48: {  	_ =	shalt  }
0x49: {  	_ =	shalt  }
0x4a: {  	_ =	shalt  }
0x4b: {  	_ =	shalt  }
0x4c: {  	_ =	shalt  }
0x4d: {  	_ =	shalt  }
0x4e: {  	_ =	shalt  }
0x4f: {  	_ =	shalt  }
0x50: {  	_ =	shalt  }
0x51: {  	_ =	shalt  }
0x52: {  	_ =	shalt  }
0x53: {  	_ =	shalt  }
0x54: {  	_ =	shalt  }
0x55: {  	_ =	shalt  }
0x56: {  	_ =	shalt  }
0x57: {  	_ =	shalt  }
0x58: {  	_ =	shalt  }
0x59: {  	_ =	shalt  }
0x5a: {  	_ =	shalt  }
0x5b: {  	_ =	shalt  }
0x5c: {  	_ =	shalt  }
0x5d: {  	_ =	shalt  }
0x5e: {  	_ =	shalt  }
0x5f: {  	_ =	shalt  }
0x60: {  	_ =	shalt  }
0x61: {  	_ =	shalt  }
0x62: {  	_ =	shalt  }
0x63: {  	_ =	shalt  }
0x64: {  	_ =	shalt  }
0x65: {  	_ =	shalt  }
0x66: {  	_ =	shalt  }
0x67: {  	_ =	shalt  }
0x68: {  	_ =	shalt  }
0x69: {  	_ =	shalt  }
0x6a: {  	_ =	shalt  }
0x6b: {  	_ =	shalt  }
0x6c: {  	_ =	shalt  }
0x6d: {  	_ =	shalt  }
0x6e: {  	_ =	shalt  }
0x6f: {  	_ =	shalt  }
0x70: {  	_ =	shalt  }
0x71: {  	_ =	shalt  }
0x72: {  	_ =	shalt  }
0x73: {  	_ =	shalt  }
0x74: {  	_ =	shalt  }
0x75: {  	_ =	shalt  }
0x76: {  	_ =	shalt  }
0x77: {  	_ =	shalt  }
0x78: {  	_ =	shalt  }
0x79: {  	_ =	shalt  }
0x7a: {  	_ =	shalt  }
0x7b: {  	_ =	shalt  }
0x7c: {  	_ =	shalt  }
0x7d: {  	_ =	shalt  }
0x7e: {  	_ =	shalt  }
0x7f: {  	_ =	shalt  }
0x80: {  	_ =	shalt  }
0x81: {  	_ =	shalt  }
0x82: {  	_ =	shalt  }
0x83: {  	_ =	shalt  }
0x84: {  	_ =	shalt  }
0x85: {  	_ =	shalt  }
0x86: {  	_ =	shalt  }
0x87: {  	_ =	shalt  }
.Lfunc_end0:
.L_simem_size_0:
called_computation_lowered:
.L_overlay_start_0:
0x88: {  	s2 =	sld [smem:$0x3FD9]  }
0x89: {  	s3 =	sld [smem:$0x3FFE];
	_ =	sdelay $0x1  }
0x8a: {  	s1 =	srdreg.scid  }
0x8b: {  	s0 =	sand.u32 $0x1, s1  }
0x8c: {  	s17 =	sshll.u32 s0, $0xA;
	s2 =	sadd.s32 s3, s2  }
0x8d: {  	s2 =	sadd.s32 s2, s17  }
0x8e: {  	[smem:$0x3FC2] =	sst s2  }
0x8f: {  	_ = 	snop  }
0x90: {  	s2 =	sld [smem:$0x3FD0];
	(tm) =	ssettm $0x1  }
0x91: {  	s18 =	sld [smem:$0x3FFB];
	_ =	sdelay $0x3  }
0x92: {  	_ =	strace s18  }
0x93: {  	s3 =	sld [smem:$0x3FFC];
	_ =	sdelay $0x3  }
0x94: {  	_ =	strace s3  }
0x95: {  	s3 =	sld [smem:$0x3FFD];
	_ =	sdelay $0x3  }
0x96: {  	_ =	strace s3  }
0x97: {  	_ =	strace $0x8FFFFFFF  }
0x98: {  	s19 =	sld [smem:$0x3FDB];
	_ =	sdelay $0x1  }
0x99: {  	s4 =	simm.s32 $_scs_section_size  }
0x9a: {  	s5 =	simm.s32 $_size__tile_overlayer_lowered;
	s6 =	simm.s32 $_tile_overlayer_lowered  }
0x9b: {  	s22 =	simm.s32 $0x1BFF;
	s21 =	sshll.u32 s6, $0x1;
	s3 =	sadd.s32 s4, s19  }
0x9c: {  	s7 =	simm.s32 $0x0;
	s20 =	sshll.u32 s5, $0x1;
	s5 =	sadd.s32 s21, s3  }
0x9d: {  	[timem:s7], [sflag:s22] =	dma.local [hbm:s5], s20  }
0x9e: {  	_ =	swait.ge [sflag:s22], s20  }
0x9f: {  	s4 =	ssub.s32 $0x0, s20;
	[sflag:s22] =	ssyncset.done $0x0  }
0xa0: {  	[sflag:s22] =	ssyncadd.s32 s4;
	_ =	sdelay $0x1  }
0xa1: {  	s23 =	simm.s32 $0x1B8B  }
0xa2: {  	_ =	swait.ge [sflag:s23], $0x1  }
0xa3: {  	[sflag:s23] =	ssyncset.done $0x0  }
0xa4: {  	s25 =	simm.s32 $0x1B8E;
	s24 =	sld [smem:$0x3FFE];
	[sflag:s23] =	ssyncadd.s32 $0xFFFFFFFF  }
0xa5: {  	s26 =	simm.s32 $execute0_lowered;
	[smem:$0x3FD2] =	sst s25  }
0xa6: {  	s5 =	sshll.u32 s26, $0x1;
	_ =	strace $0x80000046;
	[dreg:$0x1] =	wrdreg $0xFFFFFFFF  }
0xa7: {  	s28 =	simm.s32 $_size_execute0_lowered;
	s3 =	sadd.s32 s3, s5;
	[dreg:$0x0] =	wrdreg $0x0  }
0xa8: {  	s5 =	sshll.u32 s28, $0x1;
	[dreg:$0x2] =	wrdreg s3  }
0xa9: {  	[dreg:$0x3] =	wrdreg s5  }
0xaa: {  	[dreg:$0x4] =	wrdreg $0xC0  }
0xab: {  	_ =	task [dreg:s7], $0x5FFFF  }
0xac: {  	[dreg:$0x1] =	wrdreg $0xFFFFFFFF  }
0xad: {  	[dreg:$0x0] =	wrdreg $0x60  }
0xae: {  	[dreg:$0x2] =	wrdreg s24  }
0xaf: {  	[dreg:$0x3] =	wrdreg s2  }
0xb0: {  	[dreg:$0x4] =	wrdreg $0x9  }
0xb1: {  	_ =	task.clear_ibuf [dreg:s7], $0x5FFFF;
	_ =	strace $0x90000046  }
0xb2: {  	s29 =	simm.s32 $0x9;
	_ =	strace $0x80000048  }
0xb3: {  	_ =	swait.ge [sflag:s29], $0x1  }
0xb4: {  	[sflag:s29] =	ssyncadd.s32 $0xFFFFFFFF  }
0xb5: {  	_ =	strace $0x90000048  }
0xb6: {  	_ =	sfence  }
0xb7: {  	s30 =	sld [smem:$0x0];
	_ =	sdelay $0x2  }
0xb8: {  	s31 =	sshll.u32 s1, $0xD;
	s1 =	sshrl.u32 s1, $0x2  }
0xb9: {  	s3 =	sand.u32 $0x4000, s31;
	s1 =	sadd.s32 s1, s30  }
0xba: {  	s0 =	sor.u32 s3, s0;
	s1 =	sshll.u32 s1, $0x11  }
0xbb: {  	s0 =	sor.u32 s1, s0  }
0xbc: {  	s0 =	sadd.s32 $0x8F2B, s0  }
0xbd: {  	[sflag:s0] =	ssyncadd.remote.s32 $0x1  }
0xbe: {  	_ =	sfence.sel $0xFFFF  }
0xbf: {  	[dreg:$0x0] =	wrdreg $0xFFFFFFFF;
	(pc) =	sbr.abs _section_cstart, $3  }
0xc0: {  	[dreg:$0x1] =	wrdreg $0xFFFFFFFF  }
0xc1: {  	_ =	task.clear_ibuf [dreg:s7], $0x2FFFF;
	_ =	strace $0x9FFFFFFF  }
0xc2: {  	(tm) =	ssettm $0x7FFFFFFF  }
0xc3: {  	_ =	shalt  }
tec
execute0_lowered:
.L_overlay_start_1:
0x0: {  	(tag) =	ssettag $0x1  }
0x1: {  	s1 =	srdreg.scid  }
0x2: {  	s14 =	rddreg [dreg:$0x0];
	s0 =	stileid.u32;
	s15 =	sand.u32 $0x1, s1  }
0x3: {  	s3 =	rddreg [dreg:$0x1];
	s4 =	sshll.u32 s0, $0xA;
	s5 =	sshll.u32 s15, $0x9  }
0x4: {  	s2 =	simm.s32 $0x0;
	s1 =	rddreg [dreg:$0x2];
	s16 =	sor.u32 s5, s4  }
0x5: {  	[smem:$0x7FF] =	sst s2;
	s4 =	sshrl.u32 s16, $0x3  }
0x6: {  	_ =	strace $0x80000047;
	s4 =	sadd.s32 s3, s4;
	s3 =	simm.s32 $0x2  }
0x7: {  	[tilespmem:s2], [sflag:$0x2] =	stream.linear.gather [hbm4b:s4+s2], $0x200, $0x38;
	[tilespmem:$0x10200] =	vst v63  }
0x8: {  	_ =	swait.ge [sflag:s3], $0x200  }
0x9: {  	s6 =	simm.s32 $0x80;
	[sflag:s3] =	ssyncset.done $0x0  }
0xa: {  	s7 =	simm.s32 $0x200;
	s5 =	sadd.s32 $0xF43800, s14;
	[sflag:s3] =	ssyncadd.s32 $0xFFFFFE00  }
0xb: {  	[tilespmem:s7], [sflag:$0x1] =	stream.indirect.gather [hbm4b:s5+s6], $0x80, s2, s6, $0xb8;
	[tilespmem:$0x10200] =	vst v63  }
0xc: {  	s8 =	simm.s32 $0x4200  }
0xd: {  	[tilespmem:s8], [sflag:$0x1] =	stream.indirect.gather [hbm4b:s5+s6], $0x80, s6, s6, $0xb8;
	[tilespmem:$0x10200] =	vst v63  }
0xe: {  	s9 =	simm.s32 $0x100;
	s10 =	simm.s32 $0x8200  }
0xf: {  	[tilespmem:s10], [sflag:$0x1] =	stream.indirect.gather [hbm4b:s5+s6], $0x80, s9, s6, $0xb8;
	[tilespmem:$0x10200] =	vst v63  }
0x10: {  	s11 =	simm.s32 $0x180;
	s12 =	simm.s32 $0xC200;
	s13 =	simm.s32 $0x1  }
0x11: {  	[tilespmem:s12], [sflag:$0x1] =	stream.indirect.gather [hbm4b:s5+s6], $0x80, s11, s6, $0xb8;
	[tilespmem:$0x10200] =	vst v63  }
0x12: {  	_ =	swait.ge [sflag:s13], $0x4000  }
0x13: {  	[sflag:s13] =	ssyncset.done $0x0  }
0x14: {  	[sflag:s13] =	ssyncadd.s32 $0xFFFFC000  }
0x15: {  	_ =	swait.ge [sflag:s13], $0x4000  }
0x16: {  	[sflag:s13] =	ssyncset.done $0x0  }
0x17: {  	s15 =	ssub.s32 $0x2, s15;
	[sflag:s13] =	ssyncadd.s32 $0xFFFFC000  }
0x18: {  	s17 =	sshrl.u32 s15, $0x1;
	_ =	swait.ge [sflag:s13], $0x4000  }
0x19: {  	s15 =	ssub.s32 s15, s17;
	[sflag:s13] =	ssyncset.done $0x0  }
0x1a: {  	s15 =	smax.u32 s15, $0x1;
	[sflag:s13] =	ssyncadd.s32 $0xFFFFC000  }
0x1b: {  	s16 =	sshll.u32 s16, $0x4;
	p0 =	sne.s32 s15, $0x1;
	_ =	swait.ge [sflag:s13], $0x4000  }
.Ltmp0:
0x1c: {  	s14 =	sadd.s32 s16, s14;
	[sflag:s13] =	ssyncset.done $0x0;
	(pc) =	sbr.rel @!p0 .LBB2_2-.Ltmp0, $4  }
0x1d: {  	s14 =	sadd.s32 $0x1400, s14;
	[sflag:s13] =	ssyncadd.s32 $0xFFFFC000  }
0x1e: {  	[hbm4b:s14+s2] =	stream.linear.scatter [tilespmem:s7], [sflag:$0x2], $0x10000, $0x38;
	[tilespmem:$0x10200] =	vst v63  }
0x1f: {  	_ =	swait.ge [sflag:s3], $0x10000  }
0x20: {  	s15 =	sadd.s32 $0xFFFFFFFF, s15;
	[sflag:s3] =	ssyncset.done $0x0  }
.LBB2_1:
0x21: {  	p0 =	sne.s32 s15, $0x1;
	s15 =	sadd.s32 $0xFFFFFFFF, s15;
	[sflag:s3] =	ssyncadd.s32 $0xFFFF0000  }
0x22: {  	[tilespmem:s2], [sflag:$0x2] =	stream.linear.gather [hbm4b:s4+s2], $0x200, $0x38;
	[tilespmem:$0x10200] =	vst v63  }
0x23: {  	_ =	swait.ge [sflag:s3], $0x200  }
0x24: {  	[sflag:s3] =	ssyncset.done $0x0  }
0x25: {  	[sflag:s3] =	ssyncadd.s32 $0xFFFFFE00  }
0x26: {  	[tilespmem:s7], [sflag:$0x1] =	stream.indirect.gather [hbm4b:s5+s6], $0x80, s2, s6, $0xb8;
	[tilespmem:$0x10200] =	vst v63  }
0x27: {  	_ = 	snop  }
0x28: {  	[tilespmem:s8], [sflag:$0x1] =	stream.indirect.gather [hbm4b:s5+s6], $0x80, s6, s6, $0xb8;
	[tilespmem:$0x10200] =	vst v63  }
0x29: {  	_ = 	snop  }
0x2a: {  	[tilespmem:s10], [sflag:$0x1] =	stream.indirect.gather [hbm4b:s5+s6], $0x80, s9, s6, $0xb8;
	[tilespmem:$0x10200] =	vst v63  }
0x2b: {  	_ = 	snop  }
0x2c: {  	[tilespmem:s12], [sflag:$0x1] =	stream.indirect.gather [hbm4b:s5+s6], $0x80, s11, s6, $0xb8;
	[tilespmem:$0x10200] =	vst v63  }
0x2d: {  	_ =	swait.ge [sflag:s13], $0x4000  }
0x2e: {  	[sflag:s13] =	ssyncset.done $0x0  }
0x2f: {  	[sflag:s13] =	ssyncadd.s32 $0xFFFFC000  }
0x30: {  	_ =	swait.ge [sflag:s13], $0x4000  }
0x31: {  	[sflag:s13] =	ssyncset.done $0x0  }
0x32: {  	[sflag:s13] =	ssyncadd.s32 $0xFFFFC000  }
0x33: {  	_ =	swait.ge [sflag:s13], $0x4000  }
0x34: {  	[sflag:s13] =	ssyncset.done $0x0  }
0x35: {  	[sflag:s13] =	ssyncadd.s32 $0xFFFFC000  }
0x36: {  	_ =	swait.ge [sflag:s13], $0x4000  }
.Ltmp1:
0x37: {  	[sflag:s13] =	ssyncset.done $0x0;
	(pc) =	sbr.rel @p0 .LBB2_1-.Ltmp1, $4  }
0x38: {  	[sflag:s13] =	ssyncadd.s32 $0xFFFFC000  }
0x39: {  	[hbm4b:s14+s2] =	stream.linear.scatter [tilespmem:s7], [sflag:$0x2], $0x10000, $0x38;
	[tilespmem:$0x10200] =	vst v63  }
0x3a: {  	_ =	swait.ge [sflag:s3], $0x10000  }
0x3b: {  	[sflag:s3] =	ssyncset.done $0x0  }
.LBB2_2:
0x3c: {  	[sflag:s3] =	ssyncadd.s32 $0xFFFF0000  }
0x3d: {  	_ =	sfence.sel $0x180000  }
0x3e: {  	[bflag:$0x0] =	sbarrier.arrive $0xFFFF  }
0x3f: {  	p0 =	sne.s32 s0, $0x0;
	_ =	strace $0x90000047  }
0x40: {  	s0 =	sadd.s32 @!p0 $0x100000, s1;
	[bflag:$0x2] =	sbarrier.arrive $0xFFFF  }
0x41: {  	[sflag:s0] =	ssyncadd.tile.s32 @!p0 $0x1;
	_ =	shalt  }
.Lfunc_end2:
_tile_overlayer_lowered:
.L_overlay_start_2:
0x42: {  	(tag) =	ssettag $0x2  }
0x43: {  	s0 =	rddreg [dreg:$0x0];
	s2 =	stileid.u32  }
0x44: {  	s1 =	rddreg [dreg:$0x1];
	p0 =	sne.s32 s2, $0x0  }
0x45: {  	s3 =	rddreg [dreg:$0x2];
	[bflag:$0x3] =	sbarrier.arrive $0xFFFF;
	s2 =	simm.s32 @!p0 $0x1C02  }
0x46: {  	[timem:s3], [sflag:s2] =	dma.local @!p0 [hbm:s0], s1  }
0x47: {  	s0 =	simm.s32 @!p0 $0x2  }
0x48: {  	_ =	swait.ge @!p0 [sflag:s0], s1  }
0x49: {  	s1 =	ssub.s32 @!p0 $0x0, s1;
	[sflag:s0] =	ssyncset.done @!p0 $0x0  }
0x4a: {  	[sflag:s0] =	ssyncadd.s32 @!p0 s1  }
0x4b: {  	[bflag:$0x3] =	sbarrier.arrive $0xFFFF  }
0x4c: {  	_ =	shalt  }

// kernel: kernel.8.cloned.1.call-start
scs
__scs_entry_jumppad:
0x0: {  	(pc) =	sbr.rel $0x88, $3  }
0x1: {  	(tag) =	ssettag $0x0;
	lr =	simm.s32 $0x1  }
0x2: {  	[smem:$0x3F9B] =	sst lr;
	_ =	strace $0xD0000000  }
0x3: {  	_ = 	snop  }
0x4: {  	_ = 	snop  }
0x5: {  	_ = 	snop  }
0x6: {  	_ = 	snop  }
0x7: {  	_ = 	snop  }
__scs_overlays_trampoline_lowered:
0x8: {  	[smem:$0x3FAA] =	sst s0  }
0x9: {  	[smem:$0x3FAB] =	sst s1  }
0xa: {  	[smem:$0x3FAC] =	sst s2  }
0xb: {  	[smem:$0x3FAD] =	sst s3  }
0xc: {  	[smem:$0x3FAE] =	sst s4  }
0xd: {  	[smem:$0x3FAF] =	sst s5  }
0xe: {  	[smem:$0x3FB0] =	sst s6  }
0xf: {  	[smem:$0x3FB1] =	sst s7  }
0x10: {  	[smem:$0x3FB2] =	sst s8  }
0x11: {  	[smem:$0x3FB3] =	sst s9;
	s0 =	simm.s32 @!p0 $0x0  }
0x12: {  	s1 =	sld [smem:$0x3F99];
	s0 =	simm.s32 @p0 $0x1  }
0x13: {  	[smem:$0x3FB4] =	sst s0;
	s0 =	simm.s32 @!p1 $0x0  }
0x14: {  	s2 =	sld [smem:$0x3F98];
	s0 =	simm.s32 @p1 $0x1  }
0x15: {  	[smem:$0x3FB5] =	sst s0;
	s0 =	simm.s32 @!p2 $0x0  }
0x16: {  	s3 =	sld [smem:$0x3FDB];
	s0 =	simm.s32 @p2 $0x1  }
0x17: {  	s4 =	simm.s32 $0x1BF5;
	[smem:$0x3FB7] =	sst s0  }
0x18: {  	s0 =	sld [smem:$0x3F9A];
	_ =	swait.ge [sflag:s4], $0x0  }
0x19: {  	s7 =	sld [smem:$0x3F9B]  }
0x1a: {  	s8 =	sadd.s32 $0xFFFFE003, lr  }
0x1b: {  	s9 =	sadd.s32 $0xFFFFFEF7, lr;
	s5 =	simm.s32 $0xFFFFFFFF;
	p2 =	slt.u32 s8, $0xFFFFF086  }
0x1c: {  	p1 =	slt.u32 s9, $0xF7A;
	s5 =	simm.s32 @!p2 $0x0  }
0x1d: {  	s5 =	simm.s32 @p1 $0x1;
	p0 =	seq.s32 s7, s2  }
0x1e: {  	s7 =	smul.u32 @!p0 $0xF7A, s2;
	p2 =	seq.s32 @!p0 s5, $0x0  }
0x1f: {  	s9 =	smul.u32 $0xF7A, s1;
	s8 =	simm.s32 @!p0 $0x1BF5;
	p2 =	por !p2, p0  }
0x20: {  	[sflag:s8] =	ssyncset.s32 @!p0 $0xFFFFF086;
	s6 =	sadd.s32 @!p0 s3, s7;
	s7 =	simm.s32 @!p0 $0x108  }
0x21: {  	s3 =	sadd.s32 s3, s9;
	s6 =	sadd.s32 @!p0 $0x88, s6;
	s7 =	simm.s32 @p2 $0x1082  }
0x22: {  	[simem:s7], [sflag:s8] =	dma.local @!p0 [hbm:s6], $0xF7A  }
0x23: {  	s9 =	sor.u32 $0xD0000000, s2;
	s6 =	simm.s32 $0x108;
	_ =	swait.ge @!p0 [sflag:s8], $0x0  }
0x24: {  	s3 =	sadd.s32 $0x88, s3;
	s6 =	simm.s32 @!p1 $0x1082;
	[sflag:s4] =	ssyncset.s32 $0xFFFFF086  }
0x25: {  	[simem:s6], [sflag:s4] =	dma.local [hbm:s3], $0xF7A  }
0x26: {  	[smem:$0x3F9B] =	sst s1;
	(tag) =	ssettag s2;
	_ =	strace s9  }
0x27: {  	s1 =	sld [smem:$0x3FAB]  }
0x28: {  	s2 =	sld [smem:$0x3FAC]  }
0x29: {  	s4 =	sld [smem:$0x3FAE]  }
0x2a: {  	p0 =	seq.s32 s5, $0x0;
	s5 =	sld [smem:$0x3FAF]  }
0x2b: {  	s6 =	sld [smem:$0x3FB0]  }
0x2c: {  	s7 =	sld [smem:$0x3FB1]  }
0x2d: {  	s3 =	simm.s32 $0x108;
	s8 =	sld [smem:$0x3FB2]  }
0x2e: {  	s3 =	simm.s32 @!p0 $0x1082;
	s9 =	sld [smem:$0x3FB3]  }
0x2f: {  	lr =	sadd.s32 s0, s3;
	s0 =	sld [smem:$0x3FAA]  }
0x30: {  	s3 =	sld [smem:$0x3FAD]  }
0x31: {  	[smem:$0x3FB6] =	sst s10  }
0x32: {  	s10 =	sld [smem:$0x3FB4];
	_ =	sdelay $0x3  }
0x33: {  	p0 =	seq.s32 s10, $0x1;
	s10 =	sld [smem:$0x3FB6];
	_ =	sdelay $0x3  }
0x34: {  	[smem:$0x3FB6] =	sst s10  }
0x35: {  	s10 =	sld [smem:$0x3FB5];
	_ =	sdelay $0x3  }
0x36: {  	p1 =	seq.s32 s10, $0x1;
	s10 =	sld [smem:$0x3FB6];
	_ =	sdelay $0x3  }
0x37: {  	[smem:$0x3FB6] =	sst s10  }
0x38: {  	s10 =	sld [smem:$0x3FB7]  }
0x39: {  	_ = 	snop;
	(pc) =	sbr.ind lr, $3  }
0x3a: {  	_ = 	snop  }
0x3b: {  	_ = 	snop  }
0x3c: {  	p2 =	seq.s32 s10, $0x1;
	s10 =	sld [smem:$0x3FB6]  }
0x3d: {  	_ =	shalt  }
0x3e: {  	_ =	shalt  }
0x3f: {  	_ =	shalt  }
0x40: {  	_ =	shalt  }
0x41: {  	_ =	shalt  }
0x42: {  	_ =	shalt  }
0x43: {  	_ =	shalt  }
0x44: {  	_ =	shalt  }
0x45: {  	_ =	shalt  }
0x46: {  	_ =	shalt  }
0x47: {  	_ =	shalt  }
0x48: {  	_ =	shalt  }
0x49: {  	_ =	shalt  }
0x4a: {  	_ =	shalt  }
0x4b: {  	_ =	shalt  }
0x4c: {  	_ =	shalt  }
0x4d: {  	_ =	shalt  }
0x4e: {  	_ =	shalt  }
0x4f: {  	_ =	shalt  }
0x50: {  	_ =	shalt  }
0x51: {  	_ =	shalt  }
0x52: {  	_ =	shalt  }
0x53: {  	_ =	shalt  }
0x54: {  	_ =	shalt  }
0x55: {  	_ =	shalt  }
0x56: {  	_ =	shalt  }
0x57: {  	_ =	shalt  }
0x58: {  	_ =	shalt  }
0x59: {  	_ =	shalt  }
0x5a: {  	_ =	shalt  }
0x5b: {  	_ =	shalt  }
0x5c: {  	_ =	shalt  }
0x5d: {  	_ =	shalt  }
0x5e: {  	_ =	shalt  }
0x5f: {  	_ =	shalt  }
0x60: {  	_ =	shalt  }
0x61: {  	_ =	shalt  }
0x62: {  	_ =	shalt  }
0x63: {  	_ =	shalt  }
0x64: {  	_ =	shalt  }
0x65: {  	_ =	shalt  }
0x66: {  	_ =	shalt  }
0x67: {  	_ =	shalt  }
0x68: {  	_ =	shalt  }
0x69: {  	_ =	shalt  }
0x6a: {  	_ =	shalt  }
0x6b: {  	_ =	shalt  }
0x6c: {  	_ =	shalt  }
0x6d: {  	_ =	shalt  }
0x6e: {  	_ =	shalt  }
0x6f: {  	_ =	shalt  }
0x70: {  	_ =	shalt  }
0x71: {  	_ =	shalt  }
0x72: {  	_ =	shalt  }
0x73: {  	_ =	shalt  }
0x74: {  	_ =	shalt  }
0x75: {  	_ =	shalt  }
0x76: {  	_ =	shalt  }
0x77: {  	_ =	shalt  }
0x78: {  	_ =	shalt  }
0x79: {  	_ =	shalt  }
0x7a: {  	_ =	shalt  }
0x7b: {  	_ =	shalt  }
0x7c: {  	_ =	shalt  }
0x7d: {  	_ =	shalt  }
0x7e: {  	_ =	shalt  }
0x7f: {  	_ =	shalt  }
0x80: {  	_ =	shalt  }
0x81: {  	_ =	shalt  }
0x82: {  	_ =	shalt  }
0x83: {  	_ =	shalt  }
0x84: {  	_ =	shalt  }
0x85: {  	_ =	shalt  }
0x86: {  	_ =	shalt  }
0x87: {  	_ =	shalt  }
.Lfunc_end0:
.L_simem_size_0:
called_computation.1_lowered:
.L_overlay_start_0:
0x88: {  	s0 =	sld [smem:$0x3FD9]  }
0x89: {  	s1 =	sld [smem:$0x3FFE];
	_ =	sdelay $0x3  }
0x8a: {  	s0 =	sadd.s32 s1, s0  }
0x8b: {  	[smem:$0x3FC2] =	sst s0  }
0x8c: {  	_ = 	snop  }
0x8d: {  	s0 =	sld [smem:$0x3FC6]  }
0x8e: {  	s16 =	sld [smem:$0x3FD0];
	(tm) =	ssettm $0x1  }
0x8f: {  	s2 =	sld [smem:$0x3FFB];
	_ =	sdelay $0x3  }
0x90: {  	_ =	strace s2  }
0x91: {  	s2 =	sld [smem:$0x3FFC];
	_ =	sdelay $0x3  }
0x92: {  	_ =	strace s2  }
0x93: {  	s2 =	sld [smem:$0x3FFD];
	_ =	sdelay $0x3  }
0x94: {  	_ =	strace s2  }
0x95: {  	_ =	strace $0x8FFFFFFF  }
0x96: {  	s17 =	sld [smem:$0x3FDB];
	_ =	sdelay $0x1  }
0x97: {  	s3 =	simm.s32 $_scs_section_size  }
0x98: {  	s4 =	simm.s32 $_size__tile_overlayer_lowered;
	s5 =	simm.s32 $_tile_overlayer_lowered  }
0x99: {  	s20 =	simm.s32 $0x1BFF;
	s19 =	sshll.u32 s5, $0x1;
	s2 =	sadd.s32 s3, s17  }
0x9a: {  	s6 =	simm.s32 $0x0;
	s18 =	sshll.u32 s4, $0x1;
	s4 =	sadd.s32 s19, s2  }
0x9b: {  	[timem:s6], [sflag:s20] =	dma.local [hbm:s4], s18  }
0x9c: {  	_ =	swait.ge [sflag:s20], s18  }
0x9d: {  	s3 =	ssub.s32 $0x0, s18;
	[sflag:s20] =	ssyncset.done $0x0  }
0x9e: {  	[sflag:s20] =	ssyncadd.s32 s3;
	_ =	sdelay $0x1  }
0x9f: {  	s21 =	simm.s32 $0x1B8B  }
0xa0: {  	_ =	swait.ge [sflag:s21], $0x1  }
0xa1: {  	[sflag:s21] =	ssyncset.done $0x0  }
0xa2: {  	s23 =	simm.s32 $0x1B8E;
	s22 =	sld [smem:$0x3FFE];
	[sflag:s21] =	ssyncadd.s32 $0xFFFFFFFF  }
0xa3: {  	s24 =	simm.s32 $execute0_lowered;
	[smem:$0x3FD2] =	sst s23  }
0xa4: {  	s4 =	sshll.u32 s24, $0x1;
	_ =	strace $0x80000049;
	[dreg:$0x1] =	wrdreg $0xFFFFFFFF  }
0xa5: {  	s25 =	simm.s32 $_size_execute0_lowered;
	s2 =	sadd.s32 s2, s4;
	[dreg:$0x0] =	wrdreg $0x0  }
0xa6: {  	s4 =	sshll.u32 s25, $0x1;
	[dreg:$0x2] =	wrdreg s2  }
0xa7: {  	[dreg:$0x3] =	wrdreg s4  }
0xa8: {  	[dreg:$0x4] =	wrdreg $0xC0  }
0xa9: {  	_ =	task [dreg:s6], $0x5FFFF  }
0xaa: {  	[dreg:$0x1] =	wrdreg $0xFFFFFFFF  }
0xab: {  	[dreg:$0x0] =	wrdreg $0x60  }
0xac: {  	[dreg:$0x2] =	wrdreg s22  }
0xad: {  	[dreg:$0x3] =	wrdreg s0  }
0xae: {  	[dreg:$0x4] =	wrdreg s16  }
0xaf: {  	[dreg:$0x5] =	wrdreg $0x54000  }
0xb0: {  	[dreg:$0x6] =	wrdreg $0x9  }
0xb1: {  	_ =	task.clear_ibuf [dreg:s6], $0x7FFFF;
	_ =	strace $0x90000049  }
0xb2: {  	s26 =	simm.s32 $0x9;
	_ =	strace $0x8000004B  }
0xb3: {  	_ =	swait.ge [sflag:s26], $0x1  }
0xb4: {  	[sflag:s26] =	ssyncadd.s32 $0xFFFFFFFF  }
0xb5: {  	_ =	strace $0x9000004B  }
0xb6: {  	_ =	sfence  }
0xb7: {  	s28 =	sld [smem:$0x0];
	_ =	sdelay $0x1  }
0xb8: {  	s29 =	srdreg.scid  }
0xb9: {  	s30 =	sshll.u32 s29, $0xD;
	s31 =	sshrl.u32 s29, $0x2  }
0xba: {  	s1 =	sand.u32 $0x1, s29;
	s2 =	sand.u32 $0x4000, s30;
	s0 =	sadd.s32 s31, s28  }
0xbb: {  	s1 =	sor.u32 s2, s1;
	s0 =	sshll.u32 s0, $0x11  }
0xbc: {  	s0 =	sor.u32 s0, s1  }
0xbd: {  	s0 =	sadd.s32 $0x8F2B, s0  }
0xbe: {  	[sflag:s0] =	ssyncadd.remote.s32 $0x1  }
0xbf: {  	_ =	sfence.sel $0xFFFF  }
0xc0: {  	[dreg:$0x0] =	wrdreg $0xFFFFFFFF;
	(pc) =	sbr.abs _section_cstart, $3  }
0xc1: {  	[dreg:$0x1] =	wrdreg $0xFFFFFFFF  }
0xc2: {  	_ =	task.clear_ibuf [dreg:s6], $0x2FFFF;
	_ =	strace $0x9FFFFFFF  }
0xc3: {  	(tm) =	ssettm $0x7FFFFFFF  }
tec
execute0_lowered:
.L_overlay_start_1:
0x0: {  	(tag) =	ssettag $0x1  }
0x1: {  	s1 =	rddreg [dreg:$0x0]  }
0x2: {  	s7 =	rddreg [dreg:$0x1]  }
0x3: {  	s2 =	rddreg [dreg:$0x2]  }
0x4: {  	s3 =	rddreg [dreg:$0x3]  }
0x5: {  	s0 =	rddreg [dreg:$0x4];
	s4 =	simm.s32 $0x0  }
0x6: {  	s5 =	simm.s32 $0x0;
	[smem:$0x7FF] =	sst s4;
	s6 =	sadd.s32 $0x1400, s1  }
0x7: {  	v0 =	vimm.f32 $0.0e+00;
	s1 =	stileid.u32;
	s4 =	simm.s32 $0x40;
	_ =	strace $0x8000004A  }
.LBB2_1:
0x8: {  	p0 =	sne.s32 s4, $0x3FC0;
	[tilespmem:s5+$0x4400] =	vst v0;
	s5 =	smov.u32 s4;
	s4 =	sadd.s32 $0x40, s4  }
.Ltmp0:
0x9: {  	(pc) =	sbr.rel @p0 .LBB2_1-.Ltmp0, $2  }
0xa: {  	_ =	sdelay $0x2  }
0xb: {  	s5 =	sshra.s32 s5, $0x2  }
0xc: {  	s4 =	sshll.u32 s1, $0xC  }
0xd: {  	[tilespmem:s5+$0x4400] =	vst v0;
	s10 =	simm.s32 $0x4400;
	s11 =	simm.s32 $0x1;
	s9 =	sadd.s32 s4, s3  }
0xe: {  	[spmem:s9] =	stream.linear.scatter [tilespmem:s10], [sflag:$0x1], $0x1000, $0x38;
	[tilespmem:$0x6400] =	vst v63  }
0xf: {  	_ =	swait.ge [sflag:s11], $0x1000  }
0x10: {  	s8 =	sshll.u32 s1, $0x7;
	[sflag:s11] =	ssyncset.done $0x0  }
0x11: {  	s12 =	simm.s32 $0x0;
	s7 =	sadd.s32 s7, s8;
	[sflag:s11] =	ssyncadd.s32 $0xFFFFF000  }
0x12: {  	[tilespmem:s12], [sflag:$0x1] =	stream.linear.gather [hbm4b:s7+s12], $0x400, $0x38;
	[tilespmem:$0x6400] =	vst v63  }
0x13: {  	_ =	swait.ge [sflag:s11], $0x400  }
0x14: {  	s13 =	sshll.u32 s1, $0xB;
	[sflag:s11] =	ssyncset.done $0x0  }
0x15: {  	s14 =	simm.s32 $0x400;
	s6 =	sadd.s32 s6, s13;
	[sflag:s11] =	ssyncadd.s32 $0xFFFFFC00  }
0x16: {  	[tilespmem:s14], [sflag:$0x1] =	stream.linear.gather [hbm4b:s6+s12], $0x4000, $0x38;
	[tilespmem:$0x6400] =	vst v63  }
0x17: {  	_ =	swait.ge [sflag:s11], $0x4000  }
0x18: {  	[sflag:s11] =	ssyncset.done $0x0  }
0x19: {  	[sflag:s11] =	ssyncadd.s32 $0xFFFFC000  }
0x1a: {  	s15 =	simm.s32 $0x80;
	[bflag:$0x0] =	sbarrier.arrive $0xFFFF  }
0x1b: {  	[spmem:s3] =	stream.indirect.scatter.add.f32 [tilespmem:s14], [sflag:$0x1], $0x10, s12, s15, $0xb8;
	[tilespmem:$0x6400] =	vst v63  }
0x1c: {  	_ =	swait.ge [sflag:s11], $0x800  }
0x1d: {  	[sflag:s11] =	ssyncset.done $0x0  }
0x1e: {  	s16 =	simm.s32 $0xC00;
	[sflag:s11] =	ssyncadd.s32 $0xFFFFF800  }
0x1f: {  	[spmem:s3] =	stream.indirect.scatter.add.f32 [tilespmem:s16], [sflag:$0x1], $0x10, s15, s15, $0xb8;
	[tilespmem:$0x6400] =	vst v63  }
0x20: {  	_ =	swait.ge [sflag:s11], $0x800  }
0x21: {  	[sflag:s11] =	ssyncset.done $0x0  }
0x22: {  	s17 =	simm.s32 $0x100;
	s18 =	simm.s32 $0x1400;
	[sflag:s11] =	ssyncadd.s32 $0xFFFFF800  }
0x23: {  	[spmem:s3] =	stream.indirect.scatter.add.f32 [tilespmem:s18], [sflag:$0x1], $0x10, s17, s15, $0xb8;
	[tilespmem:$0x6400] =	vst v63  }
0x24: {  	_ =	swait.ge [sflag:s11], $0x800  }
0x25: {  	[sflag:s11] =	ssyncset.done $0x0  }
0x26: {  	s19 =	simm.s32 $0x180;
	s20 =	simm.s32 $0x1C00;
	[sflag:s11] =	ssyncadd.s32 $0xFFFFF800  }
0x27: {  	[spmem:s3] =	stream.indirect.scatter.add.f32 [tilespmem:s20], [sflag:$0x1], $0x10, s19, s15, $0xb8;
	[tilespmem:$0x6400] =	vst v63  }
0x28: {  	_ =	swait.ge [sflag:s11], $0x800  }
0x29: {  	[sflag:s11] =	ssyncset.done $0x0  }
0x2a: {  	s21 =	simm.s32 $0x200;
	s22 =	simm.s32 $0x2400;
	[sflag:s11] =	ssyncadd.s32 $0xFFFFF800  }
0x2b: {  	[spmem:s3] =	stream.indirect.scatter.add.f32 [tilespmem:s22], [sflag:$0x1], $0x10, s21, s15, $0xb8;
	[tilespmem:$0x6400] =	vst v63  }
0x2c: {  	_ =	swait.ge [sflag:s11], $0x800  }
0x2d: {  	[sflag:s11] =	ssyncset.done $0x0  }
0x2e: {  	s23 =	simm.s32 $0x280;
	s24 =	simm.s32 $0x2C00;
	[sflag:s11] =	ssyncadd.s32 $0xFFFFF800  }
0x2f: {  	[spmem:s3] =	stream.indirect.scatter.add.f32 [tilespmem:s24], [sflag:$0x1], $0x10, s23, s15, $0xb8;
	[tilespmem:$0x6400] =	vst v63  }
0x30: {  	_ =	swait.ge [sflag:s11], $0x800  }
0x31: {  	[sflag:s11] =	ssyncset.done $0x0  }
0x32: {  	s25 =	simm.s32 $0x300;
	s26 =	simm.s32 $0x3400;
	[sflag:s11] =	ssyncadd.s32 $0xFFFFF800  }
0x33: {  	[spmem:s3] =	stream.indirect.scatter.add.f32 [tilespmem:s26], [sflag:$0x1], $0x10, s25, s15, $0xb8;
	[tilespmem:$0x6400] =	vst v63  }
0x34: {  	_ =	swait.ge [sflag:s11], $0x800  }
0x35: {  	[sflag:s11] =	ssyncset.done $0x0  }
0x36: {  	s28 =	simm.s32 $0x380;
	s29 =	simm.s32 $0x3C00;
	[sflag:s11] =	ssyncadd.s32 $0xFFFFF800  }
0x37: {  	[spmem:s3] =	stream.indirect.scatter.add.f32 [tilespmem:s29], [sflag:$0x1], $0x10, s28, s15, $0xb8;
	[tilespmem:$0x6400] =	vst v63  }
0x38: {  	_ =	swait.ge [sflag:s11], $0x800  }
0x39: {  	s30 =	sshll.u32 s1, $0x9;
	[sflag:s11] =	ssyncset.done $0x0  }
0x3a: {  	s31 =	sshll.u32 s1, $0x6;
	s2 =	sadd.s32 s2, s30;
	[sflag:s11] =	ssyncadd.s32 $0xFFFFF800  }
0x3b: {  	s5 =	sshrl.u32 s9, $0x3;
	s3 =	sor.u32 $0x1C01, s31;
	[bflag:$0x0] =	sbarrier.arrive $0xFFFF  }
0x3c: {  	[hbm:s2], [sflag:s3] =	dma.local [spmem:s5], $0x200  }
0x3d: {  	_ =	swait.ge [sflag:s11], $0x200  }
0x3e: {  	[sflag:s11] =	ssyncset.done $0x0  }
0x3f: {  	[sflag:s11] =	ssyncadd.s32 $0xFFFFFE00  }
0x40: {  	_ =	sfence.sel $0x180000  }
0x41: {  	[bflag:$0x0] =	sbarrier.arrive $0xFFFF  }
0x42: {  	p0 =	sne.s32 s1, $0x0;
	_ =	strace $0x9000004A  }
0x43: {  	s0 =	sadd.s32 @!p0 $0x100000, s0;
	[bflag:$0x2] =	sbarrier.arrive $0xFFFF  }
0x44: {  	[sflag:s0] =	ssyncadd.tile.s32 @!p0 $0x1;
	_ =	shalt  }
.Lfunc_end2:
_tile_overlayer_lowered:
.L_overlay_start_2:
0x45: {  	(tag) =	ssettag $0x2  }
0x46: {  	s0 =	rddreg [dreg:$0x0];
	s2 =	stileid.u32  }
0x47: {  	s1 =	rddreg [dreg:$0x1];
	p0 =	sne.s32 s2, $0x0  }
0x48: {  	s3 =	rddreg [dreg:$0x2];
	[bflag:$0x3] =	sbarrier.arrive $0xFFFF;
	s2 =	simm.s32 @!p0 $0x1C01  }
0x49: {  	[timem:s3], [sflag:s2] =	dma.local @!p0 [hbm:s0], s1  }
0x4a: {  	s0 =	simm.s32 @!p0 $0x1  }
0x4b: {  	_ =	swait.ge @!p0 [sflag:s0], s1  }
0x4c: {  	s1 =	ssub.s32 @!p0 $0x0, s1;
	[sflag:s0] =	ssyncset.done @!p0 $0x0  }
0x4d: {  	[sflag:s0] =	ssyncadd.s32 @!p0 s1  }
0x4e: {  	[bflag:$0x3] =	sbarrier.arrive $0xFFFF  }
0x4f: {  	_ =	shalt  }

</sc_bundles>
